<compile_context>
chip_gen: v7x
topology: tpu7x:2x2x1
jax: 0.10.2.dev20260603
libtpu: 0.0.44.dev20260713+nightly
codegen_flags: <defaults>
</compile_context>

<pallas_src>
import functools

import jax
import jax.numpy as jnp
from jax import lax
from jax.experimental import pallas as pl
from jax.experimental.pallas import tpu as pltpu
from jax.experimental.pallas import tpu_sc as plsc

_N = 10000
_E = 320000
_NC = 2
_NS = 16
_NW = _NC * _NS
_EPW = _E // _NW
_CHUNK = 80
_NPAD = 10112
_RPS = _NPAD // _NS

_BN = 1000


def _mesh():
    return plsc.VectorSubcoreMesh(core_axis_name="c", subcore_axis_name="s")


def _sc_degrees(src, dst, ones_rows, k_rows, zeros_rows):
    out_type = jax.ShapeDtypeStruct((_NC, _NPAD, 128), jnp.float32)

    @functools.partial(
        pl.kernel, mesh=_mesh(), out_type=out_type,
        scratch_types=[
            pltpu.VMEM((_CHUNK,), jnp.int32),
            pltpu.VMEM((_CHUNK,), jnp.int32),
            pltpu.VMEM((_CHUNK, 128), jnp.float32),
            pltpu.VMEM((_CHUNK, 128), jnp.float32),
            pltpu.VMEM_SHARED((_NPAD, 128), jnp.float32),
        ])
    def k(src_hbm, dst_hbm, ones_hbm, k_hbm, zeros_hbm, out_hbm,
          sidx, didx, ones_v, k_v, acc):
        cid = lax.axis_index("c")
        sid = lax.axis_index("s")
        wid = sid * _NC + cid
        r0 = sid * _RPS
        pltpu.sync_copy(ones_hbm, ones_v)
        pltpu.sync_copy(k_hbm, k_v)
        pltpu.sync_copy(zeros_hbm, acc.at[pl.ds(r0, _RPS)])
        plsc.subcore_barrier()
        base0 = wid * _EPW

        @pl.loop(0, _EPW, step=_CHUNK)
        def _(j):
            pltpu.sync_copy(src_hbm.at[pl.ds(base0 + j, _CHUNK)], sidx)
            pltpu.sync_copy(dst_hbm.at[pl.ds(base0 + j, _CHUNK)], didx)
            pltpu.sync_copy(ones_v, acc.at[sidx], add=True)
            pltpu.sync_copy(k_v, acc.at[didx], add=True)

        plsc.subcore_barrier()
        pltpu.sync_copy(acc.at[pl.ds(r0, _RPS)],
                        out_hbm.at[cid, pl.ds(r0, _RPS)])

    return k(src, dst, ones_rows, k_rows, zeros_rows)


def _sc_aggregate(z, src, dst, zeros_rows):
    f = z.shape[1]
    out_type = jax.ShapeDtypeStruct((_NC, _NPAD, f), jnp.float32)

    @functools.partial(
        pl.kernel, mesh=_mesh(), out_type=out_type,
        scratch_types=[
            pltpu.VMEM((_CHUNK,), jnp.int32),
            pltpu.VMEM((_CHUNK,), jnp.int32),
            pltpu.VMEM((_CHUNK, f), jnp.float32),
            pltpu.VMEM_SHARED((_NPAD, f), jnp.float32),
            pltpu.SemaphoreType.DMA,
        ])
    def k(z_hbm, src_hbm, dst_hbm, zeros_hbm, out_hbm,
          sidx, didx, rows_v, acc, sem):
        cid = lax.axis_index("c")
        sid = lax.axis_index("s")
        wid = sid * _NC + cid
        r0 = sid * _RPS
        pltpu.sync_copy(zeros_hbm, acc.at[pl.ds(r0, _RPS)])
        plsc.subcore_barrier()
        base0 = wid * _EPW

        @pl.loop(0, _EPW, step=_CHUNK)
        def _(j):
            pltpu.sync_copy(src_hbm.at[pl.ds(base0 + j, _CHUNK)], sidx)
            pltpu.sync_copy(dst_hbm.at[pl.ds(base0 + j, _CHUNK)], didx)
            pltpu.async_copy(z_hbm.at[sidx], rows_v, sem).wait()
            pltpu.sync_copy(rows_v, acc.at[didx], add=True)

        plsc.subcore_barrier()
        pltpu.sync_copy(acc.at[pl.ds(r0, _RPS)],
                        out_hbm.at[cid, pl.ds(r0, _RPS)])

    return k(z, src, dst, zeros_rows)


def _tc_prep(features, h0, h1, w1):
    grid = (_N // _BN,)

    def body(f_ref, a_ref, b_ref, w_ref, ns_ref, nd_ref, z_ref):
        v = a_ref[:, 0:1] + b_ref[:, 0:1]
        deg_in = jnp.floor(v * (1.0 / 65536.0))
        deg_out = v - deg_in * 65536.0
        ns = lax.rsqrt(jnp.maximum(deg_out, 1.0))
        nd = lax.rsqrt(jnp.maximum(deg_in, 1.0))
        ns_ref[...] = ns
        nd_ref[...] = nd
        z_ref[...] = jnp.dot(f_ref[...] * ns, w_ref[...],
                             preferred_element_type=jnp.float32)

    row = lambda i: (i, 0)
    fixed = lambda i: (0, 0)
    return pl.pallas_call(
        body,
        grid=grid,
        in_specs=[
            pl.BlockSpec((_BN, 128), row),
            pl.BlockSpec((_BN, 128), row),
            pl.BlockSpec((_BN, 128), row),
            pl.BlockSpec((128, 128), fixed),
        ],
        out_specs=[
            pl.BlockSpec((_BN, 1), row),
            pl.BlockSpec((_BN, 1), row),
            pl.BlockSpec((_BN, 128), row),
        ],
        out_shape=[
            jax.ShapeDtypeStruct((_N, 1), jnp.float32),
            jax.ShapeDtypeStruct((_N, 1), jnp.float32),
            jax.ShapeDtypeStruct((_N, 128), jnp.float32),
        ],
    )(features, h0, h1, w1)


def _tc_layer(p0, p1, bias, nd, ns, w_next):
    f = p0.shape[1]
    f_next = w_next.shape[1]
    grid = (_N // _BN,)

    def body(p0_ref, p1_ref, b_ref, nd_ref, ns_ref, w_ref, z_ref):
        agg = p0_ref[...] + p1_ref[...]
        h = jnp.maximum(nd_ref[...] * agg + b_ref[...], 0.0)
        z_ref[...] = jnp.dot(ns_ref[...] * h, w_ref[...],
                             preferred_element_type=jnp.float32)

    row = lambda i: (i, 0)
    fixed = lambda i: (0, 0)
    return pl.pallas_call(
        body,
        grid=grid,
        in_specs=[
            pl.BlockSpec((_BN, f), row),
            pl.BlockSpec((_BN, f), row),
            pl.BlockSpec((1, f), fixed),
            pl.BlockSpec((_BN, 1), row),
            pl.BlockSpec((_BN, 1), row),
            pl.BlockSpec((f, f_next), fixed),
        ],
        out_specs=pl.BlockSpec((_BN, f_next), row),
        out_shape=jax.ShapeDtypeStruct((_N, f_next), jnp.float32),
    )(p0, p1, bias, nd, ns, w_next)


def _tc_layer_noproj(p0, p1, bias, nd, ns):
    f = p0.shape[1]
    grid = (_N // _BN,)

    def body(p0_ref, p1_ref, b_ref, nd_ref, ns_ref, y_ref):
        agg = p0_ref[...] + p1_ref[...]
        h = jnp.maximum(nd_ref[...] * agg + b_ref[...], 0.0)
        y_ref[...] = ns_ref[...] * h

    row = lambda i: (i, 0)
    fixed = lambda i: (0, 0)
    return pl.pallas_call(
        body,
        grid=grid,
        in_specs=[
            pl.BlockSpec((_BN, f), row),
            pl.BlockSpec((_BN, f), row),
            pl.BlockSpec((1, f), fixed),
            pl.BlockSpec((_BN, 1), row),
            pl.BlockSpec((_BN, 1), row),
        ],
        out_specs=pl.BlockSpec((_BN, f), row),
        out_shape=jax.ShapeDtypeStruct((_N, f), jnp.float32),
    )(p0, p1, bias, nd, ns)


def _tc_final(p0, p1, bias, nd, w3):
    f = p0.shape[1]
    f_out = w3.shape[1]
    grid = (_N // _BN,)

    def body(p0_ref, p1_ref, b_ref, nd_ref, w_ref, o_ref):
        agg = p0_ref[...] + p1_ref[...]
        t = jnp.dot(nd_ref[...] * agg, w_ref[...],
                    preferred_element_type=jnp.float32) + b_ref[...]
        o_ref[...] = jax.nn.sigmoid(t) + 1e-8

    row = lambda i: (i, 0)
    fixed = lambda i: (0, 0)
    return pl.pallas_call(
        body,
        grid=grid,
        in_specs=[
            pl.BlockSpec((_BN, f), row),
            pl.BlockSpec((_BN, f), row),
            pl.BlockSpec((1, f_out), fixed),
            pl.BlockSpec((_BN, 1), row),
            pl.BlockSpec((f, f_out), fixed),
        ],
        out_specs=pl.BlockSpec((_BN, f_out), row),
        out_shape=jax.ShapeDtypeStruct((_N, f_out), jnp.float32),
    )(p0, p1, bias, nd, w3)


def kernel(features, edge_index, W1, b1, W2, b2, W3, b3):
    src = edge_index[0]
    dst = edge_index[1]
    ones_rows = jnp.ones((_CHUNK, 128), jnp.float32)
    k_rows = jnp.full((_CHUNK, 128), 65536.0, jnp.float32)
    zeros128 = jnp.zeros((_RPS, 128), jnp.float32)

    hist = _sc_degrees(src, dst, ones_rows, k_rows, zeros128)
    ns, nd, z1 = _tc_prep(features, hist[0, :_N], hist[1, :_N], W1)
    p = _sc_aggregate(z1, src, dst, zeros128)
    z2 = _tc_layer(p[0, :_N], p[1, :_N], b1.reshape(1, -1), nd, ns, W2)
    p = _sc_aggregate(z2, src, dst, zeros128)
    y3 = _tc_layer_noproj(p[0, :_N], p[1, :_N], b2.reshape(1, -1), nd, ns)
    p = _sc_aggregate(y3, src, dst, zeros128)
    return _tc_final(p[0, :_N], p[1, :_N], b3.reshape(1, -1), nd, W3)

# --- scband reference (transcript-rebuilt; emitter-appended) ---
"""Pipeline reference for scband-gcn-18476949307699 (READ-ONLY COPY).

The authoritative reference and input builder live on the scoring server;
editing this copy changes nothing except your own understanding.
"""

import jax, jax.numpy as jnp
import numpy as np

N = 10000
E = 320000
IN_FEATS = 128
N_HIDDEN = 128
N_CLASSES = 64


def _graph_conv(x, src, dst, norm_src, norm_dst, W, b, act):
    # DGL GraphConv with norm='both': scale by out-deg^-1/2 at src,
    # copy-sum aggregate to dst, scale by in-deg^-1/2, then linear + activation.
    x = x * norm_src[:, None]
    msg = jnp.take(x, src, axis=0)
    agg = jax.ops.segment_sum(msg, dst, num_segments=N)
    h = agg * norm_dst[:, None]
    h = h @ W + b
    return act(h)


def setup_inputs(seed: int = 0) -> dict:
    key = jax.random.key(seed)
    ks = jax.random.split(key, 9)
    features = jax.random.normal(ks[0], (N, IN_FEATS), dtype=jnp.float32)
    edge_index = jax.random.randint(ks[1], (2, E), 0, N, dtype=jnp.int32)
    W1 = jax.random.normal(ks[2], (IN_FEATS, N_HIDDEN), dtype=jnp.float32) * (1.0 / np.sqrt(IN_FEATS))
    b1 = jnp.zeros((N_HIDDEN,), dtype=jnp.float32)
    W2 = jax.random.normal(ks[3], (N_HIDDEN, N_HIDDEN), dtype=jnp.float32) * (1.0 / np.sqrt(N_HIDDEN))
    b2 = jnp.zeros((N_HIDDEN,), dtype=jnp.float32)
    W3 = jax.random.normal(ks[4], (N_HIDDEN, N_CLASSES), dtype=jnp.float32) * (1.0 / np.sqrt(N_HIDDEN))
    b3 = jnp.zeros((N_CLASSES,), dtype=jnp.float32)
    return {"features": features, "edge_index": edge_index,
            "W1": W1, "b1": b1, "W2": W2, "b2": b2, "W3": W3, "b3": b3}


def reference(features, edge_index, W1, b1, W2, b2, W3, b3):
    src = edge_index[0]
    dst = edge_index[1]
    ones = jnp.ones((E,), dtype=jnp.float32)
    deg_out = jax.ops.segment_sum(ones, src, num_segments=N)
    deg_in = jax.ops.segment_sum(ones, dst, num_segments=N)
    norm_src = jnp.clip(deg_out, 1.0, None) ** (-0.5)
    norm_dst = jnp.clip(deg_in, 1.0, None) ** (-0.5)
    relu = jax.nn.relu
    pos_safe_sigmoid = lambda t: jax.nn.sigmoid(t) + 1e-08
    h = features.astype(jnp.float32)
    h = _graph_conv(h, src, dst, norm_src, norm_dst, W1, b1, relu)
    h = _graph_conv(h, src, dst, norm_src, norm_dst, W2, b2, relu)
    h = _graph_conv(h, src, dst, norm_src, norm_dst, W3, b3, pos_safe_sigmoid)
    return h

if __name__ == "__main__":
    import jax
    _d = setup_inputs()
    print(jax.jit(kernel)(*tuple(_d.values())))

</pallas_src>

<mosaic_0001>
#map = affine_map<(d0, d1) -> (0)>
#map1 = affine_map<(d0, d1) -> (0, 0)>
#map2 = affine_map<(d0, d1) -> (0, 0, 0)>
module attributes {stable_mosaic.version = 14 : i64} {
  func.func @k(%arg0: i32, %arg1: i32, %arg2: memref<320000xi32, #tpu.memory_space<hbm>>, %arg3: memref<320000xi32, #tpu.memory_space<hbm>>, %arg4: memref<80x128xf32, #tpu.memory_space<hbm>>, %arg5: memref<80x128xf32, #tpu.memory_space<hbm>>, %arg6: memref<632x128xf32, #tpu.memory_space<hbm>>, %arg7: memref<2x10112x128xf32, #tpu.memory_space<hbm>>, %arg8: memref<80xi32, #tpu.memory_space<vmem>>, %arg9: memref<80xi32, #tpu.memory_space<vmem>>, %arg10: memref<80x128xf32, #tpu.memory_space<vmem>>, %arg11: memref<80x128xf32, #tpu.memory_space<vmem>>, %arg12: memref<10112x128xf32, #tpu.memory_space<vmem_shared>>) attributes {dimension_semantics = [#tpu.dimension_semantics<core_parallel>, #tpu.dimension_semantics<subcore_parallel>], iteration_bounds = array<i64: 2, 16>, scalar_prefetch = 0 : i64, scratch_operands = 5 : i64, tpu.core_type = #tpu.core_type<sc_vector_subcore>, window_params = [{transform_indices = #map}, {transform_indices = #map}, {transform_indices = #map1}, {transform_indices = #map1}, {transform_indices = #map1}, {transform_indices = #map2}]} {
    %mul3A = arith.constant 2 : i32
    %mul3A_0 = arith.muli %arg1, %mul3A : i32
    %add3A = arith.addi %mul3A_0, %arg0 : i32
    %mul3A_1 = arith.constant 632 : i32
    %mul3A_2 = arith.muli %arg1, %mul3A_1 : i32
    "tpu.region"() ({
      %run_scoped3A = tpu.sem_alloc : memref<!tpu.dma_semaphore, #tpu.memory_space<semaphore_mem>>
      tpu.enqueue_dma source(%arg4 : memref<80x128xf32, #tpu.memory_space<hbm>>) target(%arg10 : memref<80x128xf32, #tpu.memory_space<vmem>>) target_semaphore(%run_scoped3A : memref<!tpu.dma_semaphore, #tpu.memory_space<semaphore_mem>>)
      tpu.wait_dma2 semaphore(%run_scoped3A : memref<!tpu.dma_semaphore, #tpu.memory_space<semaphore_mem>>) src(%arg4 : memref<80x128xf32, #tpu.memory_space<hbm>>) dst(%arg10 : memref<80x128xf32, #tpu.memory_space<vmem>>)
      tpu.yield
    }) : () -> ()
    "tpu.region"() ({
      %run_scoped3A = tpu.sem_alloc : memref<!tpu.dma_semaphore, #tpu.memory_space<semaphore_mem>>
      tpu.enqueue_dma source(%arg5 : memref<80x128xf32, #tpu.memory_space<hbm>>) target(%arg11 : memref<80x128xf32, #tpu.memory_space<vmem>>) target_semaphore(%run_scoped3A : memref<!tpu.dma_semaphore, #tpu.memory_space<semaphore_mem>>)
      tpu.wait_dma2 semaphore(%run_scoped3A : memref<!tpu.dma_semaphore, #tpu.memory_space<semaphore_mem>>) src(%arg5 : memref<80x128xf32, #tpu.memory_space<hbm>>) dst(%arg11 : memref<80x128xf32, #tpu.memory_space<vmem>>)
      tpu.yield
    }) : () -> ()
    "tpu.region"() ({
      %run_scoped3A = tpu.sem_alloc : memref<!tpu.dma_semaphore, #tpu.memory_space<semaphore_mem>>
      %dma_start3A = arith.constant 0 : i32
      %dma_start3A_10 = tpu.memref_slice %arg12[%mul3A_2, %dma_start3A] : memref<10112x128xf32, #tpu.memory_space<vmem_shared>> -> memref<632x128xf32, #tpu.memory_space<vmem_shared>>
      tpu.enqueue_dma source(%arg6 : memref<632x128xf32, #tpu.memory_space<hbm>>) target(%dma_start3A_10 : memref<632x128xf32, #tpu.memory_space<vmem_shared>>) target_semaphore(%run_scoped3A : memref<!tpu.dma_semaphore, #tpu.memory_space<semaphore_mem>>)
      %dma_wait3A = arith.constant 0 : i32
      %dma_wait3A_11 = tpu.memref_slice %arg12[%mul3A_2, %dma_wait3A] : memref<10112x128xf32, #tpu.memory_space<vmem_shared>> -> memref<632x128xf32, #tpu.memory_space<vmem_shared>>
      tpu.wait_dma2 semaphore(%run_scoped3A : memref<!tpu.dma_semaphore, #tpu.memory_space<semaphore_mem>>) src(%arg6 : memref<632x128xf32, #tpu.memory_space<hbm>>) dst(%dma_wait3A_11 : memref<632x128xf32, #tpu.memory_space<vmem_shared>>)
      tpu.yield
    }) : () -> ()
    %barrier3A = arith.constant 0 : index
    tpu.barrier barrier_id(%barrier3A)
    %mul3A_3 = arith.constant 10000 : i32
    %mul3A_4 = arith.muli %add3A, %mul3A_3 : i32
    %scan3A = arith.constant 0 : i32
    %scan3A_5 = arith.constant 125 : i32
    %scan3A_6 = arith.addi %scan3A, %scan3A_5 : i32
    %scan3A_7 = arith.constant 1 : i32
    scf.for %scan3A_10 = %scan3A to %scan3A_6 step %scan3A_7  : i32 {
      %mul3A_11 = arith.constant 80 : i32
      %mul3A_12 = arith.muli %scan3A_10, %mul3A_11 : i32
      %add3A_13 = arith.constant 0 : i32
      %add3A_14 = arith.addi %add3A_13, %mul3A_12 : i32
      %add3A_15 = arith.addi %mul3A_4, %add3A_14 : i32
      "tpu.region"() ({
        %run_scoped3A = tpu.sem_alloc : memref<!tpu.dma_semaphore, #tpu.memory_space<semaphore_mem>>
        %dma_start3A = tpu.memref_slice %arg2[%add3A_15] : memref<320000xi32, #tpu.memory_space<hbm>> -> memref<80xi32, #tpu.memory_space<hbm>>
        %dma_start3A_17 = tpu.memref_slice %arg2[%add3A_15] : memref<320000xi32, #tpu.memory_space<hbm>> -> memref<80xi32, #tpu.memory_space<hbm>>
        tpu.enqueue_dma source(%dma_start3A_17 : memref<80xi32, #tpu.memory_space<hbm>>) target(%arg8 : memref<80xi32, #tpu.memory_space<vmem>>) target_semaphore(%run_scoped3A : memref<!tpu.dma_semaphore, #tpu.memory_space<semaphore_mem>>)
        %dma_wait3A = tpu.memref_slice %arg2[%add3A_15] : memref<320000xi32, #tpu.memory_space<hbm>> -> memref<80xi32, #tpu.memory_space<hbm>>
        %dma_wait3A_18 = tpu.memref_slice %arg2[%add3A_15] : memref<320000xi32, #tpu.memory_space<hbm>> -> memref<80xi32, #tpu.memory_space<hbm>>
        tpu.wait_dma2 semaphore(%run_scoped3A : memref<!tpu.dma_semaphore, #tpu.memory_space<semaphore_mem>>) src(%dma_wait3A_18 : memref<80xi32, #tpu.memory_space<hbm>>) dst(%arg8 : memref<80xi32, #tpu.memory_space<vmem>>)
        tpu.yield
      }) : () -> ()
      %add3A_16 = arith.addi %mul3A_4, %add3A_14 : i32
      "tpu.region"() ({
        %run_scoped3A = tpu.sem_alloc : memref<!tpu.dma_semaphore, #tpu.memory_space<semaphore_mem>>
        %dma_start3A = tpu.memref_slice %arg3[%add3A_16] : memref<320000xi32, #tpu.memory_space<hbm>> -> memref<80xi32, #tpu.memory_space<hbm>>
        %dma_start3A_17 = tpu.memref_slice %arg3[%add3A_16] : memref<320000xi32, #tpu.memory_space<hbm>> -> memref<80xi32, #tpu.memory_space<hbm>>
        tpu.enqueue_dma source(%dma_start3A_17 : memref<80xi32, #tpu.memory_space<hbm>>) target(%arg9 : memref<80xi32, #tpu.memory_space<vmem>>) target_semaphore(%run_scoped3A : memref<!tpu.dma_semaphore, #tpu.memory_space<semaphore_mem>>)
        %dma_wait3A = tpu.memref_slice %arg3[%add3A_16] : memref<320000xi32, #tpu.memory_space<hbm>> -> memref<80xi32, #tpu.memory_space<hbm>>
        %dma_wait3A_18 = tpu.memref_slice %arg3[%add3A_16] : memref<320000xi32, #tpu.memory_space<hbm>> -> memref<80xi32, #tpu.memory_space<hbm>>
        tpu.wait_dma2 semaphore(%run_scoped3A : memref<!tpu.dma_semaphore, #tpu.memory_space<semaphore_mem>>) src(%dma_wait3A_18 : memref<80xi32, #tpu.memory_space<hbm>>) dst(%arg9 : memref<80xi32, #tpu.memory_space<vmem>>)
        tpu.yield
      }) : () -> ()
      "tpu.region"() ({
        %run_scoped3A = tpu.sem_alloc : memref<!tpu.dma_semaphore, #tpu.memory_space<semaphore_mem>>
        %dma_start3A = arith.constant 0 : i32
        %dma_start3A_17 = arith.constant 0 : i32
        %dma_start3A_18 = tpu.memref_slice %arg12[%dma_start3A, %dma_start3A_17] : memref<10112x128xf32, #tpu.memory_space<vmem_shared>> -> memref<10112x128xf32, #tpu.memory_space<vmem_shared>>
        tpu.enqueue_indirect_dma source(%arg10 : memref<80x128xf32, #tpu.memory_space<vmem>>) target(%dma_start3A_18 : memref<10112x128xf32, #tpu.memory_space<vmem_shared>>) offsets(%arg8 : memref<80xi32, #tpu.memory_space<vmem>>) semaphore(%run_scoped3A : memref<!tpu.dma_semaphore, #tpu.memory_space<semaphore_mem>>) {add = true}
        %dma_wait3A = arith.constant 0 : i32
        %dma_wait3A_19 = arith.constant 0 : i32
        %dma_wait3A_20 = tpu.memref_slice %arg12[%dma_wait3A, %dma_wait3A_19] : memref<10112x128xf32, #tpu.memory_space<vmem_shared>> -> memref<10112x128xf32, #tpu.memory_space<vmem_shared>>
        tpu.wait_indirect_dma semaphore(%run_scoped3A : memref<!tpu.dma_semaphore, #tpu.memory_space<semaphore_mem>>) src(%arg10 : memref<80x128xf32, #tpu.memory_space<vmem>>) dst(%dma_wait3A_20 : memref<10112x128xf32, #tpu.memory_space<vmem_shared>>)
        tpu.yield
      }) : () -> ()
      "tpu.region"() ({
        %run_scoped3A = tpu.sem_alloc : memref<!tpu.dma_semaphore, #tpu.memory_space<semaphore_mem>>
        %dma_start3A = arith.constant 0 : i32
        %dma_start3A_17 = arith.constant 0 : i32
        %dma_start3A_18 = tpu.memref_slice %arg12[%dma_start3A, %dma_start3A_17] : memref<10112x128xf32, #tpu.memory_space<vmem_shared>> -> memref<10112x128xf32, #tpu.memory_space<vmem_shared>>
        tpu.enqueue_indirect_dma source(%arg11 : memref<80x128xf32, #tpu.memory_space<vmem>>) target(%dma_start3A_18 : memref<10112x128xf32, #tpu.memory_space<vmem_shared>>) offsets(%arg9 : memref<80xi32, #tpu.memory_space<vmem>>) semaphore(%run_scoped3A : memref<!tpu.dma_semaphore, #tpu.memory_space<semaphore_mem>>) {add = true}
        %dma_wait3A = arith.constant 0 : i32
        %dma_wait3A_19 = arith.constant 0 : i32
        %dma_wait3A_20 = tpu.memref_slice %arg12[%dma_wait3A, %dma_wait3A_19] : memref<10112x128xf32, #tpu.memory_space<vmem_shared>> -> memref<10112x128xf32, #tpu.memory_space<vmem_shared>>
        tpu.wait_indirect_dma semaphore(%run_scoped3A : memref<!tpu.dma_semaphore, #tpu.memory_space<semaphore_mem>>) src(%arg11 : memref<80x128xf32, #tpu.memory_space<vmem>>) dst(%dma_wait3A_20 : memref<10112x128xf32, #tpu.memory_space<vmem_shared>>)
        tpu.yield
      }) : () -> ()
    }
    %scan3A_8 = arith.constant 125 : i32
    %barrier3A_9 = arith.constant 0 : index
    tpu.barrier barrier_id(%barrier3A_9)
    "tpu.region"() ({
      %run_scoped3A = tpu.sem_alloc : memref<!tpu.dma_semaphore, #tpu.memory_space<semaphore_mem>>
      %dma_start3A = arith.constant 0 : i32
      %dma_start3A_10 = tpu.memref_slice %arg7[%arg0, %mul3A_2, %dma_start3A] : memref<2x10112x128xf32, #tpu.memory_space<hbm>> -> memref<1x632x128xf32, #tpu.memory_space<hbm>>
      %dma_start3A_11 = tpu.memref_squeeze %dma_start3A_10 : memref<1x632x128xf32, #tpu.memory_space<hbm>> -> memref<632x128xf32, #tpu.memory_space<hbm>>
      %dma_start3A_12 = arith.constant 0 : i32
      %dma_start3A_13 = tpu.memref_slice %arg12[%mul3A_2, %dma_start3A_12] : memref<10112x128xf32, #tpu.memory_space<vmem_shared>> -> memref<632x128xf32, #tpu.memory_space<vmem_shared>>
      tpu.enqueue_dma source(%dma_start3A_13 : memref<632x128xf32, #tpu.memory_space<vmem_shared>>) target(%dma_start3A_11 : memref<632x128xf32, #tpu.memory_space<hbm>>) target_semaphore(%run_scoped3A : memref<!tpu.dma_semaphore, #tpu.memory_space<semaphore_mem>>)
      %dma_wait3A = arith.constant 0 : i32
      %dma_wait3A_14 = tpu.memref_slice %arg7[%arg0, %mul3A_2, %dma_wait3A] : memref<2x10112x128xf32, #tpu.memory_space<hbm>> -> memref<1x632x128xf32, #tpu.memory_space<hbm>>
      %dma_wait3A_15 = tpu.memref_squeeze %dma_wait3A_14 : memref<1x632x128xf32, #tpu.memory_space<hbm>> -> memref<632x128xf32, #tpu.memory_space<hbm>>
      %dma_wait3A_16 = arith.constant 0 : i32
      %dma_wait3A_17 = tpu.memref_slice %arg12[%mul3A_2, %dma_wait3A_16] : memref<10112x128xf32, #tpu.memory_space<vmem_shared>> -> memref<632x128xf32, #tpu.memory_space<vmem_shared>>
      tpu.wait_dma2 semaphore(%run_scoped3A : memref<!tpu.dma_semaphore, #tpu.memory_space<semaphore_mem>>) src(%dma_wait3A_17 : memref<632x128xf32, #tpu.memory_space<vmem_shared>>) dst(%dma_wait3A_15 : memref<632x128xf32, #tpu.memory_space<hbm>>)
      tpu.yield
    }) : () -> ()
    return
  }
}

#map = affine_map<(d0, d1) -> (0, 0)>
#map1 = affine_map<(d0, d1) -> (0)>
#map2 = affine_map<(d0, d1) -> (0, 0, 0)>
module attributes {stable_mosaic.version = 14 : i64} {
  func.func @k(%arg0: i32, %arg1: i32, %arg2: memref<10000x128xf32, #tpu.memory_space<hbm>>, %arg3: memref<320000xi32, #tpu.memory_space<hbm>>, %arg4: memref<320000xi32, #tpu.memory_space<hbm>>, %arg5: memref<632x128xf32, #tpu.memory_space<hbm>>, %arg6: memref<2x10112x128xf32, #tpu.memory_space<hbm>>, %arg7: memref<80xi32, #tpu.memory_space<vmem>>, %arg8: memref<80xi32, #tpu.memory_space<vmem>>, %arg9: memref<80x128xf32, #tpu.memory_space<vmem>>, %arg10: memref<10112x128xf32, #tpu.memory_space<vmem_shared>>, %arg11: memref<!tpu.dma_semaphore, #tpu.memory_space<semaphore_mem>>) attributes {dimension_semantics = [#tpu.dimension_semantics<core_parallel>, #tpu.dimension_semantics<subcore_parallel>], iteration_bounds = array<i64: 2, 16>, scalar_prefetch = 0 : i64, scratch_operands = 5 : i64, tpu.core_type = #tpu.core_type<sc_vector_subcore>, window_params = [{transform_indices = #map}, {transform_indices = #map1}, {transform_indices = #map1}, {transform_indices = #map}, {transform_indices = #map2}]} {
    %mul3A = arith.constant 2 : i32
    %mul3A_0 = arith.muli %arg1, %mul3A : i32
    %add3A = arith.addi %mul3A_0, %arg0 : i32
    %mul3A_1 = arith.constant 632 : i32
    %mul3A_2 = arith.muli %arg1, %mul3A_1 : i32
    "tpu.region"() ({
      %run_scoped3A = tpu.sem_alloc : memref<!tpu.dma_semaphore, #tpu.memory_space<semaphore_mem>>
      %dma_start3A = arith.constant 0 : i32
      %dma_start3A_10 = tpu.memref_slice %arg10[%mul3A_2, %dma_start3A] : memref<10112x128xf32, #tpu.memory_space<vmem_shared>> -> memref<632x128xf32, #tpu.memory_space<vmem_shared>>
      tpu.enqueue_dma source(%arg5 : memref<632x128xf32, #tpu.memory_space<hbm>>) target(%dma_start3A_10 : memref<632x128xf32, #tpu.memory_space<vmem_shared>>) target_semaphore(%run_scoped3A : memref<!tpu.dma_semaphore, #tpu.memory_space<semaphore_mem>>)
      %dma_wait3A = arith.constant 0 : i32
      %dma_wait3A_11 = tpu.memref_slice %arg10[%mul3A_2, %dma_wait3A] : memref<10112x128xf32, #tpu.memory_space<vmem_shared>> -> memref<632x128xf32, #tpu.memory_space<vmem_shared>>
      tpu.wait_dma2 semaphore(%run_scoped3A : memref<!tpu.dma_semaphore, #tpu.memory_space<semaphore_mem>>) src(%arg5 : memref<632x128xf32, #tpu.memory_space<hbm>>) dst(%dma_wait3A_11 : memref<632x128xf32, #tpu.memory_space<vmem_shared>>)
      tpu.yield
    }) : () -> ()
    %barrier3A = arith.constant 0 : index
    tpu.barrier barrier_id(%barrier3A)
    %mul3A_3 = arith.constant 10000 : i32
    %mul3A_4 = arith.muli %add3A, %mul3A_3 : i32
    %scan3A = arith.constant 0 : i32
    %scan3A_5 = arith.constant 125 : i32
    %scan3A_6 = arith.addi %scan3A, %scan3A_5 : i32
    %scan3A_7 = arith.constant 1 : i32
    scf.for %scan3A_10 = %scan3A to %scan3A_6 step %scan3A_7  : i32 {
      %mul3A_11 = arith.constant 80 : i32
      %mul3A_12 = arith.muli %scan3A_10, %mul3A_11 : i32
      %add3A_13 = arith.constant 0 : i32
      %add3A_14 = arith.addi %add3A_13, %mul3A_12 : i32
      %add3A_15 = arith.addi %mul3A_4, %add3A_14 : i32
      "tpu.region"() ({
        %run_scoped3A = tpu.sem_alloc : memref<!tpu.dma_semaphore, #tpu.memory_space<semaphore_mem>>
        %dma_start3A_21 = tpu.memref_slice %arg3[%add3A_15] : memref<320000xi32, #tpu.memory_space<hbm>> -> memref<80xi32, #tpu.memory_space<hbm>>
        %dma_start3A_22 = tpu.memref_slice %arg3[%add3A_15] : memref<320000xi32, #tpu.memory_space<hbm>> -> memref<80xi32, #tpu.memory_space<hbm>>
        tpu.enqueue_dma source(%dma_start3A_22 : memref<80xi32, #tpu.memory_space<hbm>>) target(%arg7 : memref<80xi32, #tpu.memory_space<vmem>>) target_semaphore(%run_scoped3A : memref<!tpu.dma_semaphore, #tpu.memory_space<semaphore_mem>>)
        %dma_wait3A_23 = tpu.memref_slice %arg3[%add3A_15] : memref<320000xi32, #tpu.memory_space<hbm>> -> memref<80xi32, #tpu.memory_space<hbm>>
        %dma_wait3A_24 = tpu.memref_slice %arg3[%add3A_15] : memref<320000xi32, #tpu.memory_space<hbm>> -> memref<80xi32, #tpu.memory_space<hbm>>
        tpu.wait_dma2 semaphore(%run_scoped3A : memref<!tpu.dma_semaphore, #tpu.memory_space<semaphore_mem>>) src(%dma_wait3A_24 : memref<80xi32, #tpu.memory_space<hbm>>) dst(%arg7 : memref<80xi32, #tpu.memory_space<vmem>>)
        tpu.yield
      }) : () -> ()
      %add3A_16 = arith.addi %mul3A_4, %add3A_14 : i32
      "tpu.region"() ({
        %run_scoped3A = tpu.sem_alloc : memref<!tpu.dma_semaphore, #tpu.memory_space<semaphore_mem>>
        %dma_start3A_21 = tpu.memref_slice %arg4[%add3A_16] : memref<320000xi32, #tpu.memory_space<hbm>> -> memref<80xi32, #tpu.memory_space<hbm>>
        %dma_start3A_22 = tpu.memref_slice %arg4[%add3A_16] : memref<320000xi32, #tpu.memory_space<hbm>> -> memref<80xi32, #tpu.memory_space<hbm>>
        tpu.enqueue_dma source(%dma_start3A_22 : memref<80xi32, #tpu.memory_space<hbm>>) target(%arg8 : memref<80xi32, #tpu.memory_space<vmem>>) target_semaphore(%run_scoped3A : memref<!tpu.dma_semaphore, #tpu.memory_space<semaphore_mem>>)
        %dma_wait3A_23 = tpu.memref_slice %arg4[%add3A_16] : memref<320000xi32, #tpu.memory_space<hbm>> -> memref<80xi32, #tpu.memory_space<hbm>>
        %dma_wait3A_24 = tpu.memref_slice %arg4[%add3A_16] : memref<320000xi32, #tpu.memory_space<hbm>> -> memref<80xi32, #tpu.memory_space<hbm>>
        tpu.wait_dma2 semaphore(%run_scoped3A : memref<!tpu.dma_semaphore, #tpu.memory_space<semaphore_mem>>) src(%dma_wait3A_24 : memref<80xi32, #tpu.memory_space<hbm>>) dst(%arg8 : memref<80xi32, #tpu.memory_space<vmem>>)
        tpu.yield
      }) : () -> ()
      %dma_start3A = arith.constant 0 : i32
      %dma_start3A_17 = arith.constant 0 : i32
      %dma_start3A_18 = tpu.memref_slice %arg2[%dma_start3A, %dma_start3A_17] : memref<10000x128xf32, #tpu.memory_space<hbm>> -> memref<10000x128xf32, #tpu.memory_space<hbm>>
      tpu.enqueue_indirect_dma source(%dma_start3A_18 : memref<10000x128xf32, #tpu.memory_space<hbm>>) target(%arg9 : memref<80x128xf32, #tpu.memory_space<vmem>>) offsets(%arg7 : memref<80xi32, #tpu.memory_space<vmem>>) semaphore(%arg11 : memref<!tpu.dma_semaphore, #tpu.memory_space<semaphore_mem>>)
      %dma_wait3A = arith.constant 0 : i32
      %dma_wait3A_19 = arith.constant 0 : i32
      %dma_wait3A_20 = tpu.memref_slice %arg2[%dma_wait3A, %dma_wait3A_19] : memref<10000x128xf32, #tpu.memory_space<hbm>> -> memref<10000x128xf32, #tpu.memory_space<hbm>>
      tpu.wait_indirect_dma semaphore(%arg11 : memref<!tpu.dma_semaphore, #tpu.memory_space<semaphore_mem>>) src(%dma_wait3A_20 : memref<10000x128xf32, #tpu.memory_space<hbm>>) dst(%arg9 : memref<80x128xf32, #tpu.memory_space<vmem>>)
      "tpu.region"() ({
        %run_scoped3A = tpu.sem_alloc : memref<!tpu.dma_semaphore, #tpu.memory_space<semaphore_mem>>
        %dma_start3A_21 = arith.constant 0 : i32
        %dma_start3A_22 = arith.constant 0 : i32
        %dma_start3A_23 = tpu.memref_slice %arg10[%dma_start3A_21, %dma_start3A_22] : memref<10112x128xf32, #tpu.memory_space<vmem_shared>> -> memref<10112x128xf32, #tpu.memory_space<vmem_shared>>
        tpu.enqueue_indirect_dma source(%arg9 : memref<80x128xf32, #tpu.memory_space<vmem>>) target(%dma_start3A_23 : memref<10112x128xf32, #tpu.memory_space<vmem_shared>>) offsets(%arg8 : memref<80xi32, #tpu.memory_space<vmem>>) semaphore(%run_scoped3A : memref<!tpu.dma_semaphore, #tpu.memory_space<semaphore_mem>>) {add = true}
        %dma_wait3A_24 = arith.constant 0 : i32
        %dma_wait3A_25 = arith.constant 0 : i32
        %dma_wait3A_26 = tpu.memref_slice %arg10[%dma_wait3A_24, %dma_wait3A_25] : memref<10112x128xf32, #tpu.memory_space<vmem_shared>> -> memref<10112x128xf32, #tpu.memory_space<vmem_shared>>
        tpu.wait_indirect_dma semaphore(%run_scoped3A : memref<!tpu.dma_semaphore, #tpu.memory_space<semaphore_mem>>) src(%arg9 : memref<80x128xf32, #tpu.memory_space<vmem>>) dst(%dma_wait3A_26 : memref<10112x128xf32, #tpu.memory_space<vmem_shared>>)
        tpu.yield
      }) : () -> ()
    }
    %scan3A_8 = arith.constant 125 : i32
    %barrier3A_9 = arith.constant 0 : index
    tpu.barrier barrier_id(%barrier3A_9)
    "tpu.region"() ({
      %run_scoped3A = tpu.sem_alloc : memref<!tpu.dma_semaphore, #tpu.memory_space<semaphore_mem>>
      %dma_start3A = arith.constant 0 : i32
      %dma_start3A_10 = tpu.memref_slice %arg6[%arg0, %mul3A_2, %dma_start3A] : memref<2x10112x128xf32, #tpu.memory_space<hbm>> -> memref<1x632x128xf32, #tpu.memory_space<hbm>>
      %dma_start3A_11 = tpu.memref_squeeze %dma_start3A_10 : memref<1x632x128xf32, #tpu.memory_space<hbm>> -> memref<632x128xf32, #tpu.memory_space<hbm>>
      %dma_start3A_12 = arith.constant 0 : i32
      %dma_start3A_13 = tpu.memref_slice %arg10[%mul3A_2, %dma_start3A_12] : memref<10112x128xf32, #tpu.memory_space<vmem_shared>> -> memref<632x128xf32, #tpu.memory_space<vmem_shared>>
      tpu.enqueue_dma source(%dma_start3A_13 : memref<632x128xf32, #tpu.memory_space<vmem_shared>>) target(%dma_start3A_11 : memref<632x128xf32, #tpu.memory_space<hbm>>) target_semaphore(%run_scoped3A : memref<!tpu.dma_semaphore, #tpu.memory_space<semaphore_mem>>)
      %dma_wait3A = arith.constant 0 : i32
      %dma_wait3A_14 = tpu.memref_slice %arg6[%arg0, %mul3A_2, %dma_wait3A] : memref<2x10112x128xf32, #tpu.memory_space<hbm>> -> memref<1x632x128xf32, #tpu.memory_space<hbm>>
      %dma_wait3A_15 = tpu.memref_squeeze %dma_wait3A_14 : memref<1x632x128xf32, #tpu.memory_space<hbm>> -> memref<632x128xf32, #tpu.memory_space<hbm>>
      %dma_wait3A_16 = arith.constant 0 : i32
      %dma_wait3A_17 = tpu.memref_slice %arg10[%mul3A_2, %dma_wait3A_16] : memref<10112x128xf32, #tpu.memory_space<vmem_shared>> -> memref<632x128xf32, #tpu.memory_space<vmem_shared>>
      tpu.wait_dma2 semaphore(%run_scoped3A : memref<!tpu.dma_semaphore, #tpu.memory_space<semaphore_mem>>) src(%dma_wait3A_17 : memref<632x128xf32, #tpu.memory_space<vmem_shared>>) dst(%dma_wait3A_15 : memref<632x128xf32, #tpu.memory_space<hbm>>)
      tpu.yield
    }) : () -> ()
    return
  }
}

#map = affine_map<(d0, d1) -> (0, 0)>
#map1 = affine_map<(d0, d1) -> (0)>
#map2 = affine_map<(d0, d1) -> (0, 0, 0)>
module attributes {stable_mosaic.version = 14 : i64} {
  func.func @k(%arg0: i32, %arg1: i32, %arg2: memref<10000x128xf32, #tpu.memory_space<hbm>>, %arg3: memref<320000xi32, #tpu.memory_space<hbm>>, %arg4: memref<320000xi32, #tpu.memory_space<hbm>>, %arg5: memref<632x128xf32, #tpu.memory_space<hbm>>, %arg6: memref<2x10112x128xf32, #tpu.memory_space<hbm>>, %arg7: memref<80xi32, #tpu.memory_space<vmem>>, %arg8: memref<80xi32, #tpu.memory_space<vmem>>, %arg9: memref<80x128xf32, #tpu.memory_space<vmem>>, %arg10: memref<10112x128xf32, #tpu.memory_space<vmem_shared>>, %arg11: memref<!tpu.dma_semaphore, #tpu.memory_space<semaphore_mem>>) attributes {dimension_semantics = [#tpu.dimension_semantics<core_parallel>, #tpu.dimension_semantics<subcore_parallel>], iteration_bounds = array<i64: 2, 16>, scalar_prefetch = 0 : i64, scratch_operands = 5 : i64, tpu.core_type = #tpu.core_type<sc_vector_subcore>, window_params = [{transform_indices = #map}, {transform_indices = #map1}, {transform_indices = #map1}, {transform_indices = #map}, {transform_indices = #map2}]} {
    %mul3A = arith.constant 2 : i32
    %mul3A_0 = arith.muli %arg1, %mul3A : i32
    %add3A = arith.addi %mul3A_0, %arg0 : i32
    %mul3A_1 = arith.constant 632 : i32
    %mul3A_2 = arith.muli %arg1, %mul3A_1 : i32
    "tpu.region"() ({
      %run_scoped3A = tpu.sem_alloc : memref<!tpu.dma_semaphore, #tpu.memory_space<semaphore_mem>>
      %dma_start3A = arith.constant 0 : i32
      %dma_start3A_10 = tpu.memref_slice %arg10[%mul3A_2, %dma_start3A] : memref<10112x128xf32, #tpu.memory_space<vmem_shared>> -> memref<632x128xf32, #tpu.memory_space<vmem_shared>>
      tpu.enqueue_dma source(%arg5 : memref<632x128xf32, #tpu.memory_space<hbm>>) target(%dma_start3A_10 : memref<632x128xf32, #tpu.memory_space<vmem_shared>>) target_semaphore(%run_scoped3A : memref<!tpu.dma_semaphore, #tpu.memory_space<semaphore_mem>>)
      %dma_wait3A = arith.constant 0 : i32
      %dma_wait3A_11 = tpu.memref_slice %arg10[%mul3A_2, %dma_wait3A] : memref<10112x128xf32, #tpu.memory_space<vmem_shared>> -> memref<632x128xf32, #tpu.memory_space<vmem_shared>>
      tpu.wait_dma2 semaphore(%run_scoped3A : memref<!tpu.dma_semaphore, #tpu.memory_space<semaphore_mem>>) src(%arg5 : memref<632x128xf32, #tpu.memory_space<hbm>>) dst(%dma_wait3A_11 : memref<632x128xf32, #tpu.memory_space<vmem_shared>>)
      tpu.yield
    }) : () -> ()
    %barrier3A = arith.constant 0 : index
    tpu.barrier barrier_id(%barrier3A)
    %mul3A_3 = arith.constant 10000 : i32
    %mul3A_4 = arith.muli %add3A, %mul3A_3 : i32
    %scan3A = arith.constant 0 : i32
    %scan3A_5 = arith.constant 125 : i32
    %scan3A_6 = arith.addi %scan3A, %scan3A_5 : i32
    %scan3A_7 = arith.constant 1 : i32
    scf.for %scan3A_10 = %scan3A to %scan3A_6 step %scan3A_7  : i32 {
      %mul3A_11 = arith.constant 80 : i32
      %mul3A_12 = arith.muli %scan3A_10, %mul3A_11 : i32
      %add3A_13 = arith.constant 0 : i32
      %add3A_14 = arith.addi %add3A_13, %mul3A_12 : i32
      %add3A_15 = arith.addi %mul3A_4, %add3A_14 : i32
      "tpu.region"() ({
        %run_scoped3A = tpu.sem_alloc : memref<!tpu.dma_semaphore, #tpu.memory_space<semaphore_mem>>
        %dma_start3A_21 = tpu.memref_slice %arg3[%add3A_15] : memref<320000xi32, #tpu.memory_space<hbm>> -> memref<80xi32, #tpu.memory_space<hbm>>
        %dma_start3A_22 = tpu.memref_slice %arg3[%add3A_15] : memref<320000xi32, #tpu.memory_space<hbm>> -> memref<80xi32, #tpu.memory_space<hbm>>
        tpu.enqueue_dma source(%dma_start3A_22 : memref<80xi32, #tpu.memory_space<hbm>>) target(%arg7 : memref<80xi32, #tpu.memory_space<vmem>>) target_semaphore(%run_scoped3A : memref<!tpu.dma_semaphore, #tpu.memory_space<semaphore_mem>>)
        %dma_wait3A_23 = tpu.memref_slice %arg3[%add3A_15] : memref<320000xi32, #tpu.memory_space<hbm>> -> memref<80xi32, #tpu.memory_space<hbm>>
        %dma_wait3A_24 = tpu.memref_slice %arg3[%add3A_15] : memref<320000xi32, #tpu.memory_space<hbm>> -> memref<80xi32, #tpu.memory_space<hbm>>
        tpu.wait_dma2 semaphore(%run_scoped3A : memref<!tpu.dma_semaphore, #tpu.memory_space<semaphore_mem>>) src(%dma_wait3A_24 : memref<80xi32, #tpu.memory_space<hbm>>) dst(%arg7 : memref<80xi32, #tpu.memory_space<vmem>>)
        tpu.yield
      }) : () -> ()
      %add3A_16 = arith.addi %mul3A_4, %add3A_14 : i32
      "tpu.region"() ({
        %run_scoped3A = tpu.sem_alloc : memref<!tpu.dma_semaphore, #tpu.memory_space<semaphore_mem>>
        %dma_start3A_21 = tpu.memref_slice %arg4[%add3A_16] : memref<320000xi32, #tpu.memory_space<hbm>> -> memref<80xi32, #tpu.memory_space<hbm>>
        %dma_start3A_22 = tpu.memref_slice %arg4[%add3A_16] : memref<320000xi32, #tpu.memory_space<hbm>> -> memref<80xi32, #tpu.memory_space<hbm>>
        tpu.enqueue_dma source(%dma_start3A_22 : memref<80xi32, #tpu.memory_space<hbm>>) target(%arg8 : memref<80xi32, #tpu.memory_space<vmem>>) target_semaphore(%run_scoped3A : memref<!tpu.dma_semaphore, #tpu.memory_space<semaphore_mem>>)
        %dma_wait3A_23 = tpu.memref_slice %arg4[%add3A_16] : memref<320000xi32, #tpu.memory_space<hbm>> -> memref<80xi32, #tpu.memory_space<hbm>>
        %dma_wait3A_24 = tpu.memref_slice %arg4[%add3A_16] : memref<320000xi32, #tpu.memory_space<hbm>> -> memref<80xi32, #tpu.memory_space<hbm>>
        tpu.wait_dma2 semaphore(%run_scoped3A : memref<!tpu.dma_semaphore, #tpu.memory_space<semaphore_mem>>) src(%dma_wait3A_24 : memref<80xi32, #tpu.memory_space<hbm>>) dst(%arg8 : memref<80xi32, #tpu.memory_space<vmem>>)
        tpu.yield
      }) : () -> ()
      %dma_start3A = arith.constant 0 : i32
      %dma_start3A_17 = arith.constant 0 : i32
      %dma_start3A_18 = tpu.memref_slice %arg2[%dma_start3A, %dma_start3A_17] : memref<10000x128xf32, #tpu.memory_space<hbm>> -> memref<10000x128xf32, #tpu.memory_space<hbm>>
      tpu.enqueue_indirect_dma source(%dma_start3A_18 : memref<10000x128xf32, #tpu.memory_space<hbm>>) target(%arg9 : memref<80x128xf32, #tpu.memory_space<vmem>>) offsets(%arg7 : memref<80xi32, #tpu.memory_space<vmem>>) semaphore(%arg11 : memref<!tpu.dma_semaphore, #tpu.memory_space<semaphore_mem>>)
      %dma_wait3A = arith.constant 0 : i32
      %dma_wait3A_19 = arith.constant 0 : i32
      %dma_wait3A_20 = tpu.memref_slice %arg2[%dma_wait3A, %dma_wait3A_19] : memref<10000x128xf32, #tpu.memory_space<hbm>> -> memref<10000x128xf32, #tpu.memory_space<hbm>>
      tpu.wait_indirect_dma semaphore(%arg11 : memref<!tpu.dma_semaphore, #tpu.memory_space<semaphore_mem>>) src(%dma_wait3A_20 : memref<10000x128xf32, #tpu.memory_space<hbm>>) dst(%arg9 : memref<80x128xf32, #tpu.memory_space<vmem>>)
      "tpu.region"() ({
        %run_scoped3A = tpu.sem_alloc : memref<!tpu.dma_semaphore, #tpu.memory_space<semaphore_mem>>
        %dma_start3A_21 = arith.constant 0 : i32
        %dma_start3A_22 = arith.constant 0 : i32
        %dma_start3A_23 = tpu.memref_slice %arg10[%dma_start3A_21, %dma_start3A_22] : memref<10112x128xf32, #tpu.memory_space<vmem_shared>> -> memref<10112x128xf32, #tpu.memory_space<vmem_shared>>
        tpu.enqueue_indirect_dma source(%arg9 : memref<80x128xf32, #tpu.memory_space<vmem>>) target(%dma_start3A_23 : memref<10112x128xf32, #tpu.memory_space<vmem_shared>>) offsets(%arg8 : memref<80xi32, #tpu.memory_space<vmem>>) semaphore(%run_scoped3A : memref<!tpu.dma_semaphore, #tpu.memory_space<semaphore_mem>>) {add = true}
        %dma_wait3A_24 = arith.constant 0 : i32
        %dma_wait3A_25 = arith.constant 0 : i32
        %dma_wait3A_26 = tpu.memref_slice %arg10[%dma_wait3A_24, %dma_wait3A_25] : memref<10112x128xf32, #tpu.memory_space<vmem_shared>> -> memref<10112x128xf32, #tpu.memory_space<vmem_shared>>
        tpu.wait_indirect_dma semaphore(%run_scoped3A : memref<!tpu.dma_semaphore, #tpu.memory_space<semaphore_mem>>) src(%arg9 : memref<80x128xf32, #tpu.memory_space<vmem>>) dst(%dma_wait3A_26 : memref<10112x128xf32, #tpu.memory_space<vmem_shared>>)
        tpu.yield
      }) : () -> ()
    }
    %scan3A_8 = arith.constant 125 : i32
    %barrier3A_9 = arith.constant 0 : index
    tpu.barrier barrier_id(%barrier3A_9)
    "tpu.region"() ({
      %run_scoped3A = tpu.sem_alloc : memref<!tpu.dma_semaphore, #tpu.memory_space<semaphore_mem>>
      %dma_start3A = arith.constant 0 : i32
      %dma_start3A_10 = tpu.memref_slice %arg6[%arg0, %mul3A_2, %dma_start3A] : memref<2x10112x128xf32, #tpu.memory_space<hbm>> -> memref<1x632x128xf32, #tpu.memory_space<hbm>>
      %dma_start3A_11 = tpu.memref_squeeze %dma_start3A_10 : memref<1x632x128xf32, #tpu.memory_space<hbm>> -> memref<632x128xf32, #tpu.memory_space<hbm>>
      %dma_start3A_12 = arith.constant 0 : i32
      %dma_start3A_13 = tpu.memref_slice %arg10[%mul3A_2, %dma_start3A_12] : memref<10112x128xf32, #tpu.memory_space<vmem_shared>> -> memref<632x128xf32, #tpu.memory_space<vmem_shared>>
      tpu.enqueue_dma source(%dma_start3A_13 : memref<632x128xf32, #tpu.memory_space<vmem_shared>>) target(%dma_start3A_11 : memref<632x128xf32, #tpu.memory_space<hbm>>) target_semaphore(%run_scoped3A : memref<!tpu.dma_semaphore, #tpu.memory_space<semaphore_mem>>)
      %dma_wait3A = arith.constant 0 : i32
      %dma_wait3A_14 = tpu.memref_slice %arg6[%arg0, %mul3A_2, %dma_wait3A] : memref<2x10112x128xf32, #tpu.memory_space<hbm>> -> memref<1x632x128xf32, #tpu.memory_space<hbm>>
      %dma_wait3A_15 = tpu.memref_squeeze %dma_wait3A_14 : memref<1x632x128xf32, #tpu.memory_space<hbm>> -> memref<632x128xf32, #tpu.memory_space<hbm>>
      %dma_wait3A_16 = arith.constant 0 : i32
      %dma_wait3A_17 = tpu.memref_slice %arg10[%mul3A_2, %dma_wait3A_16] : memref<10112x128xf32, #tpu.memory_space<vmem_shared>> -> memref<632x128xf32, #tpu.memory_space<vmem_shared>>
      tpu.wait_dma2 semaphore(%run_scoped3A : memref<!tpu.dma_semaphore, #tpu.memory_space<semaphore_mem>>) src(%dma_wait3A_17 : memref<632x128xf32, #tpu.memory_space<vmem_shared>>) dst(%dma_wait3A_15 : memref<632x128xf32, #tpu.memory_space<hbm>>)
      tpu.yield
    }) : () -> ()
    return
  }
}

#map = affine_map<(d0, d1) -> (0, 0)>
#map1 = affine_map<(d0, d1) -> (0)>
#map2 = affine_map<(d0, d1) -> (0, 0, 0)>
module attributes {stable_mosaic.version = 14 : i64} {
  func.func @k(%arg0: i32, %arg1: i32, %arg2: memref<10000x128xf32, #tpu.memory_space<hbm>>, %arg3: memref<320000xi32, #tpu.memory_space<hbm>>, %arg4: memref<320000xi32, #tpu.memory_space<hbm>>, %arg5: memref<632x128xf32, #tpu.memory_space<hbm>>, %arg6: memref<2x10112x128xf32, #tpu.memory_space<hbm>>, %arg7: memref<80xi32, #tpu.memory_space<vmem>>, %arg8: memref<80xi32, #tpu.memory_space<vmem>>, %arg9: memref<80x128xf32, #tpu.memory_space<vmem>>, %arg10: memref<10112x128xf32, #tpu.memory_space<vmem_shared>>, %arg11: memref<!tpu.dma_semaphore, #tpu.memory_space<semaphore_mem>>) attributes {dimension_semantics = [#tpu.dimension_semantics<core_parallel>, #tpu.dimension_semantics<subcore_parallel>], iteration_bounds = array<i64: 2, 16>, scalar_prefetch = 0 : i64, scratch_operands = 5 : i64, tpu.core_type = #tpu.core_type<sc_vector_subcore>, window_params = [{transform_indices = #map}, {transform_indices = #map1}, {transform_indices = #map1}, {transform_indices = #map}, {transform_indices = #map2}]} {
    %mul3A = arith.constant 2 : i32
    %mul3A_0 = arith.muli %arg1, %mul3A : i32
    %add3A = arith.addi %mul3A_0, %arg0 : i32
    %mul3A_1 = arith.constant 632 : i32
    %mul3A_2 = arith.muli %arg1, %mul3A_1 : i32
    "tpu.region"() ({
      %run_scoped3A = tpu.sem_alloc : memref<!tpu.dma_semaphore, #tpu.memory_space<semaphore_mem>>
      %dma_start3A = arith.constant 0 : i32
      %dma_start3A_10 = tpu.memref_slice %arg10[%mul3A_2, %dma_start3A] : memref<10112x128xf32, #tpu.memory_space<vmem_shared>> -> memref<632x128xf32, #tpu.memory_space<vmem_shared>>
      tpu.enqueue_dma source(%arg5 : memref<632x128xf32, #tpu.memory_space<hbm>>) target(%dma_start3A_10 : memref<632x128xf32, #tpu.memory_space<vmem_shared>>) target_semaphore(%run_scoped3A : memref<!tpu.dma_semaphore, #tpu.memory_space<semaphore_mem>>)
      %dma_wait3A = arith.constant 0 : i32
      %dma_wait3A_11 = tpu.memref_slice %arg10[%mul3A_2, %dma_wait3A] : memref<10112x128xf32, #tpu.memory_space<vmem_shared>> -> memref<632x128xf32, #tpu.memory_space<vmem_shared>>
      tpu.wait_dma2 semaphore(%run_scoped3A : memref<!tpu.dma_semaphore, #tpu.memory_space<semaphore_mem>>) src(%arg5 : memref<632x128xf32, #tpu.memory_space<hbm>>) dst(%dma_wait3A_11 : memref<632x128xf32, #tpu.memory_space<vmem_shared>>)
      tpu.yield
    }) : () -> ()
    %barrier3A = arith.constant 0 : index
    tpu.barrier barrier_id(%barrier3A)
    %mul3A_3 = arith.constant 10000 : i32
    %mul3A_4 = arith.muli %add3A, %mul3A_3 : i32
    %scan3A = arith.constant 0 : i32
    %scan3A_5 = arith.constant 125 : i32
    %scan3A_6 = arith.addi %scan3A, %scan3A_5 : i32
    %scan3A_7 = arith.constant 1 : i32
    scf.for %scan3A_10 = %scan3A to %scan3A_6 step %scan3A_7  : i32 {
      %mul3A_11 = arith.constant 80 : i32
      %mul3A_12 = arith.muli %scan3A_10, %mul3A_11 : i32
      %add3A_13 = arith.constant 0 : i32
      %add3A_14 = arith.addi %add3A_13, %mul3A_12 : i32
      %add3A_15 = arith.addi %mul3A_4, %add3A_14 : i32
      "tpu.region"() ({
        %run_scoped3A = tpu.sem_alloc : memref<!tpu.dma_semaphore, #tpu.memory_space<semaphore_mem>>
        %dma_start3A_21 = tpu.memref_slice %arg3[%add3A_15] : memref<320000xi32, #tpu.memory_space<hbm>> -> memref<80xi32, #tpu.memory_space<hbm>>
        %dma_start3A_22 = tpu.memref_slice %arg3[%add3A_15] : memref<320000xi32, #tpu.memory_space<hbm>> -> memref<80xi32, #tpu.memory_space<hbm>>
        tpu.enqueue_dma source(%dma_start3A_22 : memref<80xi32, #tpu.memory_space<hbm>>) target(%arg7 : memref<80xi32, #tpu.memory_space<vmem>>) target_semaphore(%run_scoped3A : memref<!tpu.dma_semaphore, #tpu.memory_space<semaphore_mem>>)
        %dma_wait3A_23 = tpu.memref_slice %arg3[%add3A_15] : memref<320000xi32, #tpu.memory_space<hbm>> -> memref<80xi32, #tpu.memory_space<hbm>>
        %dma_wait3A_24 = tpu.memref_slice %arg3[%add3A_15] : memref<320000xi32, #tpu.memory_space<hbm>> -> memref<80xi32, #tpu.memory_space<hbm>>
        tpu.wait_dma2 semaphore(%run_scoped3A : memref<!tpu.dma_semaphore, #tpu.memory_space<semaphore_mem>>) src(%dma_wait3A_24 : memref<80xi32, #tpu.memory_space<hbm>>) dst(%arg7 : memref<80xi32, #tpu.memory_space<vmem>>)
        tpu.yield
      }) : () -> ()
      %add3A_16 = arith.addi %mul3A_4, %add3A_14 : i32
      "tpu.region"() ({
        %run_scoped3A = tpu.sem_alloc : memref<!tpu.dma_semaphore, #tpu.memory_space<semaphore_mem>>
        %dma_start3A_21 = tpu.memref_slice %arg4[%add3A_16] : memref<320000xi32, #tpu.memory_space<hbm>> -> memref<80xi32, #tpu.memory_space<hbm>>
        %dma_start3A_22 = tpu.memref_slice %arg4[%add3A_16] : memref<320000xi32, #tpu.memory_space<hbm>> -> memref<80xi32, #tpu.memory_space<hbm>>
        tpu.enqueue_dma source(%dma_start3A_22 : memref<80xi32, #tpu.memory_space<hbm>>) target(%arg8 : memref<80xi32, #tpu.memory_space<vmem>>) target_semaphore(%run_scoped3A : memref<!tpu.dma_semaphore, #tpu.memory_space<semaphore_mem>>)
        %dma_wait3A_23 = tpu.memref_slice %arg4[%add3A_16] : memref<320000xi32, #tpu.memory_space<hbm>> -> memref<80xi32, #tpu.memory_space<hbm>>
        %dma_wait3A_24 = tpu.memref_slice %arg4[%add3A_16] : memref<320000xi32, #tpu.memory_space<hbm>> -> memref<80xi32, #tpu.memory_space<hbm>>
        tpu.wait_dma2 semaphore(%run_scoped3A : memref<!tpu.dma_semaphore, #tpu.memory_space<semaphore_mem>>) src(%dma_wait3A_24 : memref<80xi32, #tpu.memory_space<hbm>>) dst(%arg8 : memref<80xi32, #tpu.memory_space<vmem>>)
        tpu.yield
      }) : () -> ()
      %dma_start3A = arith.constant 0 : i32
      %dma_start3A_17 = arith.constant 0 : i32
      %dma_start3A_18 = tpu.memref_slice %arg2[%dma_start3A, %dma_start3A_17] : memref<10000x128xf32, #tpu.memory_space<hbm>> -> memref<10000x128xf32, #tpu.memory_space<hbm>>
      tpu.enqueue_indirect_dma source(%dma_start3A_18 : memref<10000x128xf32, #tpu.memory_space<hbm>>) target(%arg9 : memref<80x128xf32, #tpu.memory_space<vmem>>) offsets(%arg7 : memref<80xi32, #tpu.memory_space<vmem>>) semaphore(%arg11 : memref<!tpu.dma_semaphore, #tpu.memory_space<semaphore_mem>>)
      %dma_wait3A = arith.constant 0 : i32
      %dma_wait3A_19 = arith.constant 0 : i32
      %dma_wait3A_20 = tpu.memref_slice %arg2[%dma_wait3A, %dma_wait3A_19] : memref<10000x128xf32, #tpu.memory_space<hbm>> -> memref<10000x128xf32, #tpu.memory_space<hbm>>
      tpu.wait_indirect_dma semaphore(%arg11 : memref<!tpu.dma_semaphore, #tpu.memory_space<semaphore_mem>>) src(%dma_wait3A_20 : memref<10000x128xf32, #tpu.memory_space<hbm>>) dst(%arg9 : memref<80x128xf32, #tpu.memory_space<vmem>>)
      "tpu.region"() ({
        %run_scoped3A = tpu.sem_alloc : memref<!tpu.dma_semaphore, #tpu.memory_space<semaphore_mem>>
        %dma_start3A_21 = arith.constant 0 : i32
        %dma_start3A_22 = arith.constant 0 : i32
        %dma_start3A_23 = tpu.memref_slice %arg10[%dma_start3A_21, %dma_start3A_22] : memref<10112x128xf32, #tpu.memory_space<vmem_shared>> -> memref<10112x128xf32, #tpu.memory_space<vmem_shared>>
        tpu.enqueue_indirect_dma source(%arg9 : memref<80x128xf32, #tpu.memory_space<vmem>>) target(%dma_start3A_23 : memref<10112x128xf32, #tpu.memory_space<vmem_shared>>) offsets(%arg8 : memref<80xi32, #tpu.memory_space<vmem>>) semaphore(%run_scoped3A : memref<!tpu.dma_semaphore, #tpu.memory_space<semaphore_mem>>) {add = true}
        %dma_wait3A_24 = arith.constant 0 : i32
        %dma_wait3A_25 = arith.constant 0 : i32
        %dma_wait3A_26 = tpu.memref_slice %arg10[%dma_wait3A_24, %dma_wait3A_25] : memref<10112x128xf32, #tpu.memory_space<vmem_shared>> -> memref<10112x128xf32, #tpu.memory_space<vmem_shared>>
        tpu.wait_indirect_dma semaphore(%run_scoped3A : memref<!tpu.dma_semaphore, #tpu.memory_space<semaphore_mem>>) src(%arg9 : memref<80x128xf32, #tpu.memory_space<vmem>>) dst(%dma_wait3A_26 : memref<10112x128xf32, #tpu.memory_space<vmem_shared>>)
        tpu.yield
      }) : () -> ()
    }
    %scan3A_8 = arith.constant 125 : i32
    %barrier3A_9 = arith.constant 0 : index
    tpu.barrier barrier_id(%barrier3A_9)
    "tpu.region"() ({
      %run_scoped3A = tpu.sem_alloc : memref<!tpu.dma_semaphore, #tpu.memory_space<semaphore_mem>>
      %dma_start3A = arith.constant 0 : i32
      %dma_start3A_10 = tpu.memref_slice %arg6[%arg0, %mul3A_2, %dma_start3A] : memref<2x10112x128xf32, #tpu.memory_space<hbm>> -> memref<1x632x128xf32, #tpu.memory_space<hbm>>
      %dma_start3A_11 = tpu.memref_squeeze %dma_start3A_10 : memref<1x632x128xf32, #tpu.memory_space<hbm>> -> memref<632x128xf32, #tpu.memory_space<hbm>>
      %dma_start3A_12 = arith.constant 0 : i32
      %dma_start3A_13 = tpu.memref_slice %arg10[%mul3A_2, %dma_start3A_12] : memref<10112x128xf32, #tpu.memory_space<vmem_shared>> -> memref<632x128xf32, #tpu.memory_space<vmem_shared>>
      tpu.enqueue_dma source(%dma_start3A_13 : memref<632x128xf32, #tpu.memory_space<vmem_shared>>) target(%dma_start3A_11 : memref<632x128xf32, #tpu.memory_space<hbm>>) target_semaphore(%run_scoped3A : memref<!tpu.dma_semaphore, #tpu.memory_space<semaphore_mem>>)
      %dma_wait3A = arith.constant 0 : i32
      %dma_wait3A_14 = tpu.memref_slice %arg6[%arg0, %mul3A_2, %dma_wait3A] : memref<2x10112x128xf32, #tpu.memory_space<hbm>> -> memref<1x632x128xf32, #tpu.memory_space<hbm>>
      %dma_wait3A_15 = tpu.memref_squeeze %dma_wait3A_14 : memref<1x632x128xf32, #tpu.memory_space<hbm>> -> memref<632x128xf32, #tpu.memory_space<hbm>>
      %dma_wait3A_16 = arith.constant 0 : i32
      %dma_wait3A_17 = tpu.memref_slice %arg10[%mul3A_2, %dma_wait3A_16] : memref<10112x128xf32, #tpu.memory_space<vmem_shared>> -> memref<632x128xf32, #tpu.memory_space<vmem_shared>>
      tpu.wait_dma2 semaphore(%run_scoped3A : memref<!tpu.dma_semaphore, #tpu.memory_space<semaphore_mem>>) src(%dma_wait3A_17 : memref<632x128xf32, #tpu.memory_space<vmem_shared>>) dst(%dma_wait3A_15 : memref<632x128xf32, #tpu.memory_space<hbm>>)
      tpu.yield
    }) : () -> ()
    return
  }
}

module attributes {stable_mosaic.version = 14 : i64} {
  func.func @body(%arg0: i32, %arg1: memref<1000x128xf32, #tpu.memory_space<vmem>>, %arg2: memref<1000x128xf32, #tpu.memory_space<vmem>>, %arg3: memref<1000x128xf32, #tpu.memory_space<vmem>>, %arg4: memref<128x128xf32, #tpu.memory_space<vmem>>, %arg5: memref<1000x1xf32, #tpu.memory_space<vmem>>, %arg6: memref<1000x1xf32, #tpu.memory_space<vmem>>, %arg7: memref<1000x128xf32, #tpu.memory_space<vmem>>) attributes {dimension_semantics = [#tpu.dimension_semantics<arbitrary>], iteration_bounds = array<i64: 10>, scalar_prefetch = 0 : i64, scratch_operands = 0 : i64, tpu.core_type = #tpu.core_type<tc>, window_params = [{transform_indices = @transform_0, window_bounds = array<i64: 1000, 128>}, {transform_indices = @transform_1, window_bounds = array<i64: 1000, 128>}, {transform_indices = @transform_2, window_bounds = array<i64: 1000, 128>}, {pipeline_mode = #tpu.pipeline_mode<synchronous>, transform_indices = @transform_3, window_bounds = array<i64: 128, 128>}, {transform_indices = @transform_4, window_bounds = array<i64: 1000, 1>}, {transform_indices = @transform_5, window_bounds = array<i64: 1000, 1>}, {transform_indices = @transform_6, window_bounds = array<i64: 1000, 128>}]} {
    %get3A = arith.constant 0 : index
    %get3A_0 = arith.constant 0 : index
    %get3A_1 = vector.load %arg2[%get3A, %get3A_0] : memref<1000x128xf32, #tpu.memory_space<vmem>>, vector<1000x1xf32>
    %get3A_2 = arith.constant 0 : index
    %get3A_3 = arith.constant 0 : index
    %get3A_4 = vector.load %arg3[%get3A_2, %get3A_3] : memref<1000x128xf32, #tpu.memory_space<vmem>>, vector<1000x1xf32>
    %add3A = arith.addf %get3A_1, %get3A_4 : vector<1000x1xf32>
    %mul3A = arith.constant 1.52587891E-5 : f32
    %mul3A_5 = vector.broadcast %mul3A : f32 to vector<1000x1xf32>
    %mul3A_6 = arith.mulf %add3A, %mul3A_5 : vector<1000x1xf32>
    %floor3A = math.floor %mul3A_6 : vector<1000x1xf32>
    %mul3A_7 = arith.constant 6.553600e+04 : f32
    %mul3A_8 = vector.broadcast %mul3A_7 : f32 to vector<1000x1xf32>
    %mul3A_9 = arith.mulf %floor3A, %mul3A_8 : vector<1000x1xf32>
    %sub3A = arith.subf %add3A, %mul3A_9 : vector<1000x1xf32>
    %max3A = arith.constant 1.000000e+00 : f32
    %max3A_10 = vector.broadcast %max3A : f32 to vector<1000x1xf32>
    %max3A_11 = arith.maximumf %sub3A, %max3A_10 : vector<1000x1xf32>
    %rsqrt3A = math.rsqrt %max3A_11 : vector<1000x1xf32>
    %max3A_12 = arith.constant 1.000000e+00 : f32
    %max3A_13 = vector.broadcast %max3A_12 : f32 to vector<1000x1xf32>
    %max3A_14 = arith.maximumf %floor3A, %max3A_13 : vector<1000x1xf32>
    %rsqrt3A_15 = math.rsqrt %max3A_14 : vector<1000x1xf32>
    %swap3A = arith.constant 0 : index
    %swap3A_16 = arith.constant 0 : index
    %swap3A_17 = vector.load %arg5[%swap3A, %swap3A_16] : memref<1000x1xf32, #tpu.memory_space<vmem>>, vector<1000x1xf32>
    tpu.vector_store %arg5[%swap3A, %swap3A_16], %rsqrt3A {strides = array<i32>} : memref<1000x1xf32, #tpu.memory_space<vmem>>, vector<1000x1xf32>,
    %swap3A_18 = arith.constant 0 : index
    %swap3A_19 = arith.constant 0 : index
    %swap3A_20 = vector.load %arg6[%swap3A_18, %swap3A_19] : memref<1000x1xf32, #tpu.memory_space<vmem>>, vector<1000x1xf32>
    tpu.vector_store %arg6[%swap3A_18, %swap3A_19], %rsqrt3A_15 {strides = array<i32>} : memref<1000x1xf32, #tpu.memory_space<vmem>>, vector<1000x1xf32>,
    %get3A_21 = arith.constant 0 : index
    %get3A_22 = arith.constant 0 : index
    %get3A_23 = vector.load %arg1[%get3A_21, %get3A_22] : memref<1000x128xf32, #tpu.memory_space<vmem>>, vector<1000x128xf32>
    %mul3A_24 = vector.broadcast %rsqrt3A : vector<1000x1xf32> to vector<1000x128xf32>
    %mul3A_25 = arith.mulf %get3A_23, %mul3A_24 : vector<1000x128xf32>
    %get3A_26 = arith.constant 0 : index
    %get3A_27 = arith.constant 0 : index
    %get3A_28 = vector.load %arg4[%get3A_26, %get3A_27] : memref<128x128xf32, #tpu.memory_space<vmem>>, vector<128x128xf32>
    %dot_general3A = arith.constant dense<0.000000e+00> : vector<1000x128xf32>
    %dot_general3A_29 = tpu.matmul %mul3A_25, %get3A_28, %dot_general3A {dimension_numbers = #tpu.dot_dimension_numbers<[1], [0], [0], [1], [0, 0, 1, 1], [], []>, transpose_lhs_hint = false} : vector<1000x128xf32>, vector<128x128xf32>, vector<1000x128xf32> -> vector<1000x128xf32>
    %swap3A_30 = arith.constant 0 : index
    %swap3A_31 = arith.constant 0 : index
    %swap3A_32 = vector.load %arg7[%swap3A_30, %swap3A_31] : memref<1000x128xf32, #tpu.memory_space<vmem>>, vector<1000x128xf32>
    tpu.vector_store %arg7[%swap3A_30, %swap3A_31], %dot_general3A_29 {strides = array<i32>} : memref<1000x128xf32, #tpu.memory_space<vmem>>, vector<1000x128xf32>,
    return
  }
  func.func @transform_0(%arg0: i32) -> (i32, i32) {
    %c0_i32 = arith.constant 0 : i32
    %c0_i32_0 = arith.constant 0 : i32
    return %arg0, %c0_i32 : i32, i32
  }
  func.func @transform_1(%arg0: i32) -> (i32, i32) {
    %c0_i32 = arith.constant 0 : i32
    %c0_i32_0 = arith.constant 0 : i32
    return %arg0, %c0_i32 : i32, i32
  }
  func.func @transform_2(%arg0: i32) -> (i32, i32) {
    %c0_i32 = arith.constant 0 : i32
    %c0_i32_0 = arith.constant 0 : i32
    return %arg0, %c0_i32 : i32, i32
  }
  func.func @transform_3(%arg0: i32) -> (i32, i32) {
    %c0_i32 = arith.constant 0 : i32
    %c0_i32_0 = arith.constant 0 : i32
    %c0_i32_1 = arith.constant 0 : i32
    return %c0_i32, %c0_i32_0 : i32, i32
  }
  func.func @transform_4(%arg0: i32) -> (i32, i32) {
    %c0_i32 = arith.constant 0 : i32
    %c0_i32_0 = arith.constant 0 : i32
    return %arg0, %c0_i32 : i32, i32
  }
  func.func @transform_5(%arg0: i32) -> (i32, i32) {
    %c0_i32 = arith.constant 0 : i32
    %c0_i32_0 = arith.constant 0 : i32
    return %arg0, %c0_i32 : i32, i32
  }
  func.func @transform_6(%arg0: i32) -> (i32, i32) {
    %c0_i32 = arith.constant 0 : i32
    %c0_i32_0 = arith.constant 0 : i32
    return %arg0, %c0_i32 : i32, i32
  }
}

module attributes {stable_mosaic.version = 14 : i64} {
  func.func @body(%arg0: i32, %arg1: memref<1000x128xf32, #tpu.memory_space<vmem>>, %arg2: memref<1000x128xf32, #tpu.memory_space<vmem>>, %arg3: memref<1x128xf32, #tpu.memory_space<vmem>>, %arg4: memref<1000x1xf32, #tpu.memory_space<vmem>>, %arg5: memref<1000x1xf32, #tpu.memory_space<vmem>>, %arg6: memref<128x128xf32, #tpu.memory_space<vmem>>, %arg7: memref<1000x128xf32, #tpu.memory_space<vmem>>) attributes {dimension_semantics = [#tpu.dimension_semantics<arbitrary>], iteration_bounds = array<i64: 10>, scalar_prefetch = 0 : i64, scratch_operands = 0 : i64, tpu.core_type = #tpu.core_type<tc>, window_params = [{transform_indices = @transform_0, window_bounds = array<i64: 1000, 128>}, {transform_indices = @transform_1, window_bounds = array<i64: 1000, 128>}, {pipeline_mode = #tpu.pipeline_mode<synchronous>, transform_indices = @transform_2, window_bounds = array<i64: 1, 128>}, {transform_indices = @transform_3, window_bounds = array<i64: 1000, 1>}, {transform_indices = @transform_4, window_bounds = array<i64: 1000, 1>}, {pipeline_mode = #tpu.pipeline_mode<synchronous>, transform_indices = @transform_5, window_bounds = array<i64: 128, 128>}, {transform_indices = @transform_6, window_bounds = array<i64: 1000, 128>}]} {
    %get3A = arith.constant 0 : index
    %get3A_0 = arith.constant 0 : index
    %get3A_1 = vector.load %arg1[%get3A, %get3A_0] : memref<1000x128xf32, #tpu.memory_space<vmem>>, vector<1000x128xf32>
    %get3A_2 = arith.constant 0 : index
    %get3A_3 = arith.constant 0 : index
    %get3A_4 = vector.load %arg2[%get3A_2, %get3A_3] : memref<1000x128xf32, #tpu.memory_space<vmem>>, vector<1000x128xf32>
    %add3A = arith.addf %get3A_1, %get3A_4 : vector<1000x128xf32>
    %get3A_5 = arith.constant 0 : index
    %get3A_6 = arith.constant 0 : index
    %get3A_7 = vector.load %arg4[%get3A_5, %get3A_6] : memref<1000x1xf32, #tpu.memory_space<vmem>>, vector<1000x1xf32>
    %mul3A = vector.broadcast %get3A_7 : vector<1000x1xf32> to vector<1000x128xf32>
    %mul3A_8 = arith.mulf %mul3A, %add3A : vector<1000x128xf32>
    %get3A_9 = arith.constant 0 : index
    %get3A_10 = arith.constant 0 : index
    %get3A_11 = vector.load %arg3[%get3A_9, %get3A_10] : memref<1x128xf32, #tpu.memory_space<vmem>>, vector<1x128xf32>
    %add3A_12 = vector.broadcast %get3A_11 : vector<1x128xf32> to vector<1000x128xf32>
    %add3A_13 = arith.addf %mul3A_8, %add3A_12 : vector<1000x128xf32>
    %max3A = arith.constant 0.000000e+00 : f32
    %max3A_14 = vector.broadcast %max3A : f32 to vector<1000x128xf32>
    %max3A_15 = arith.maximumf %add3A_13, %max3A_14 : vector<1000x128xf32>
    %get3A_16 = arith.constant 0 : index
    %get3A_17 = arith.constant 0 : index
    %get3A_18 = vector.load %arg5[%get3A_16, %get3A_17] : memref<1000x1xf32, #tpu.memory_space<vmem>>, vector<1000x1xf32>
    %mul3A_19 = vector.broadcast %get3A_18 : vector<1000x1xf32> to vector<1000x128xf32>
    %mul3A_20 = arith.mulf %mul3A_19, %max3A_15 : vector<1000x128xf32>
    %get3A_21 = arith.constant 0 : index
    %get3A_22 = arith.constant 0 : index
    %get3A_23 = vector.load %arg6[%get3A_21, %get3A_22] : memref<128x128xf32, #tpu.memory_space<vmem>>, vector<128x128xf32>
    %dot_general3A = arith.constant dense<0.000000e+00> : vector<1000x128xf32>
    %dot_general3A_24 = tpu.matmul %mul3A_20, %get3A_23, %dot_general3A {dimension_numbers = #tpu.dot_dimension_numbers<[1], [0], [0], [1], [0, 0, 1, 1], [], []>, transpose_lhs_hint = false} : vector<1000x128xf32>, vector<128x128xf32>, vector<1000x128xf32> -> vector<1000x128xf32>
    %swap3A = arith.constant 0 : index
    %swap3A_25 = arith.constant 0 : index
    %swap3A_26 = vector.load %arg7[%swap3A, %swap3A_25] : memref<1000x128xf32, #tpu.memory_space<vmem>>, vector<1000x128xf32>
    tpu.vector_store %arg7[%swap3A, %swap3A_25], %dot_general3A_24 {strides = array<i32>} : memref<1000x128xf32, #tpu.memory_space<vmem>>, vector<1000x128xf32>,
    return
  }
  func.func @transform_0(%arg0: i32) -> (i32, i32) {
    %c0_i32 = arith.constant 0 : i32
    %c0_i32_0 = arith.constant 0 : i32
    return %arg0, %c0_i32 : i32, i32
  }
  func.func @transform_1(%arg0: i32) -> (i32, i32) {
    %c0_i32 = arith.constant 0 : i32
    %c0_i32_0 = arith.constant 0 : i32
    return %arg0, %c0_i32 : i32, i32
  }
  func.func @transform_2(%arg0: i32) -> (i32, i32) {
    %c0_i32 = arith.constant 0 : i32
    %c0_i32_0 = arith.constant 0 : i32
    %c0_i32_1 = arith.constant 0 : i32
    return %c0_i32, %c0_i32_0 : i32, i32
  }
  func.func @transform_3(%arg0: i32) -> (i32, i32) {
    %c0_i32 = arith.constant 0 : i32
    %c0_i32_0 = arith.constant 0 : i32
    return %arg0, %c0_i32 : i32, i32
  }
  func.func @transform_4(%arg0: i32) -> (i32, i32) {
    %c0_i32 = arith.constant 0 : i32
    %c0_i32_0 = arith.constant 0 : i32
    return %arg0, %c0_i32 : i32, i32
  }
  func.func @transform_5(%arg0: i32) -> (i32, i32) {
    %c0_i32 = arith.constant 0 : i32
    %c0_i32_0 = arith.constant 0 : i32
    %c0_i32_1 = arith.constant 0 : i32
    return %c0_i32, %c0_i32_0 : i32, i32
  }
  func.func @transform_6(%arg0: i32) -> (i32, i32) {
    %c0_i32 = arith.constant 0 : i32
    %c0_i32_0 = arith.constant 0 : i32
    return %arg0, %c0_i32 : i32, i32
  }
}

module attributes {stable_mosaic.version = 14 : i64} {
  func.func @body(%arg0: i32, %arg1: memref<1000x128xf32, #tpu.memory_space<vmem>>, %arg2: memref<1000x128xf32, #tpu.memory_space<vmem>>, %arg3: memref<1x128xf32, #tpu.memory_space<vmem>>, %arg4: memref<1000x1xf32, #tpu.memory_space<vmem>>, %arg5: memref<1000x1xf32, #tpu.memory_space<vmem>>, %arg6: memref<1000x128xf32, #tpu.memory_space<vmem>>) attributes {dimension_semantics = [#tpu.dimension_semantics<arbitrary>], iteration_bounds = array<i64: 10>, scalar_prefetch = 0 : i64, scratch_operands = 0 : i64, tpu.core_type = #tpu.core_type<tc>, window_params = [{transform_indices = @transform_0, window_bounds = array<i64: 1000, 128>}, {transform_indices = @transform_1, window_bounds = array<i64: 1000, 128>}, {pipeline_mode = #tpu.pipeline_mode<synchronous>, transform_indices = @transform_2, window_bounds = array<i64: 1, 128>}, {transform_indices = @transform_3, window_bounds = array<i64: 1000, 1>}, {transform_indices = @transform_4, window_bounds = array<i64: 1000, 1>}, {transform_indices = @transform_5, window_bounds = array<i64: 1000, 128>}]} {
    %get3A = arith.constant 0 : index
    %get3A_0 = arith.constant 0 : index
    %get3A_1 = vector.load %arg1[%get3A, %get3A_0] : memref<1000x128xf32, #tpu.memory_space<vmem>>, vector<1000x128xf32>
    %get3A_2 = arith.constant 0 : index
    %get3A_3 = arith.constant 0 : index
    %get3A_4 = vector.load %arg2[%get3A_2, %get3A_3] : memref<1000x128xf32, #tpu.memory_space<vmem>>, vector<1000x128xf32>
    %add3A = arith.addf %get3A_1, %get3A_4 : vector<1000x128xf32>
    %get3A_5 = arith.constant 0 : index
    %get3A_6 = arith.constant 0 : index
    %get3A_7 = vector.load %arg4[%get3A_5, %get3A_6] : memref<1000x1xf32, #tpu.memory_space<vmem>>, vector<1000x1xf32>
    %mul3A = vector.broadcast %get3A_7 : vector<1000x1xf32> to vector<1000x128xf32>
    %mul3A_8 = arith.mulf %mul3A, %add3A : vector<1000x128xf32>
    %get3A_9 = arith.constant 0 : index
    %get3A_10 = arith.constant 0 : index
    %get3A_11 = vector.load %arg3[%get3A_9, %get3A_10] : memref<1x128xf32, #tpu.memory_space<vmem>>, vector<1x128xf32>
    %add3A_12 = vector.broadcast %get3A_11 : vector<1x128xf32> to vector<1000x128xf32>
    %add3A_13 = arith.addf %mul3A_8, %add3A_12 : vector<1000x128xf32>
    %max3A = arith.constant 0.000000e+00 : f32
    %max3A_14 = vector.broadcast %max3A : f32 to vector<1000x128xf32>
    %max3A_15 = arith.maximumf %add3A_13, %max3A_14 : vector<1000x128xf32>
    %get3A_16 = arith.constant 0 : index
    %get3A_17 = arith.constant 0 : index
    %get3A_18 = vector.load %arg5[%get3A_16, %get3A_17] : memref<1000x1xf32, #tpu.memory_space<vmem>>, vector<1000x1xf32>
    %mul3A_19 = vector.broadcast %get3A_18 : vector<1000x1xf32> to vector<1000x128xf32>
    %mul3A_20 = arith.mulf %mul3A_19, %max3A_15 : vector<1000x128xf32>
    %swap3A = arith.constant 0 : index
    %swap3A_21 = arith.constant 0 : index
    %swap3A_22 = vector.load %arg6[%swap3A, %swap3A_21] : memref<1000x128xf32, #tpu.memory_space<vmem>>, vector<1000x128xf32>
    tpu.vector_store %arg6[%swap3A, %swap3A_21], %mul3A_20 {strides = array<i32>} : memref<1000x128xf32, #tpu.memory_space<vmem>>, vector<1000x128xf32>,
    return
  }
  func.func @transform_0(%arg0: i32) -> (i32, i32) {
    %c0_i32 = arith.constant 0 : i32
    %c0_i32_0 = arith.constant 0 : i32
    return %arg0, %c0_i32 : i32, i32
  }
  func.func @transform_1(%arg0: i32) -> (i32, i32) {
    %c0_i32 = arith.constant 0 : i32
    %c0_i32_0 = arith.constant 0 : i32
    return %arg0, %c0_i32 : i32, i32
  }
  func.func @transform_2(%arg0: i32) -> (i32, i32) {
    %c0_i32 = arith.constant 0 : i32
    %c0_i32_0 = arith.constant 0 : i32
    %c0_i32_1 = arith.constant 0 : i32
    return %c0_i32, %c0_i32_0 : i32, i32
  }
  func.func @transform_3(%arg0: i32) -> (i32, i32) {
    %c0_i32 = arith.constant 0 : i32
    %c0_i32_0 = arith.constant 0 : i32
    return %arg0, %c0_i32 : i32, i32
  }
  func.func @transform_4(%arg0: i32) -> (i32, i32) {
    %c0_i32 = arith.constant 0 : i32
    %c0_i32_0 = arith.constant 0 : i32
    return %arg0, %c0_i32 : i32, i32
  }
  func.func @transform_5(%arg0: i32) -> (i32, i32) {
    %c0_i32 = arith.constant 0 : i32
    %c0_i32_0 = arith.constant 0 : i32
    return %arg0, %c0_i32 : i32, i32
  }
}

module attributes {stable_mosaic.version = 14 : i64} {
  func.func @body(%arg0: i32, %arg1: memref<1000x128xf32, #tpu.memory_space<vmem>>, %arg2: memref<1000x128xf32, #tpu.memory_space<vmem>>, %arg3: memref<1x64xf32, #tpu.memory_space<vmem>>, %arg4: memref<1000x1xf32, #tpu.memory_space<vmem>>, %arg5: memref<128x64xf32, #tpu.memory_space<vmem>>, %arg6: memref<1000x64xf32, #tpu.memory_space<vmem>>) attributes {dimension_semantics = [#tpu.dimension_semantics<arbitrary>], iteration_bounds = array<i64: 10>, scalar_prefetch = 0 : i64, scratch_operands = 0 : i64, tpu.core_type = #tpu.core_type<tc>, window_params = [{transform_indices = @transform_0, window_bounds = array<i64: 1000, 128>}, {transform_indices = @transform_1, window_bounds = array<i64: 1000, 128>}, {pipeline_mode = #tpu.pipeline_mode<synchronous>, transform_indices = @transform_2, window_bounds = array<i64: 1, 64>}, {transform_indices = @transform_3, window_bounds = array<i64: 1000, 1>}, {pipeline_mode = #tpu.pipeline_mode<synchronous>, transform_indices = @transform_4, window_bounds = array<i64: 128, 64>}, {transform_indices = @transform_5, window_bounds = array<i64: 1000, 64>}]} {
    %get3A = arith.constant 0 : index
    %get3A_0 = arith.constant 0 : index
    %get3A_1 = vector.load %arg1[%get3A, %get3A_0] : memref<1000x128xf32, #tpu.memory_space<vmem>>, vector<1000x128xf32>
    %get3A_2 = arith.constant 0 : index
    %get3A_3 = arith.constant 0 : index
    %get3A_4 = vector.load %arg2[%get3A_2, %get3A_3] : memref<1000x128xf32, #tpu.memory_space<vmem>>, vector<1000x128xf32>
    %add3A = arith.addf %get3A_1, %get3A_4 : vector<1000x128xf32>
    %get3A_5 = arith.constant 0 : index
    %get3A_6 = arith.constant 0 : index
    %get3A_7 = vector.load %arg4[%get3A_5, %get3A_6] : memref<1000x1xf32, #tpu.memory_space<vmem>>, vector<1000x1xf32>
    %mul3A = vector.broadcast %get3A_7 : vector<1000x1xf32> to vector<1000x128xf32>
    %mul3A_8 = arith.mulf %mul3A, %add3A : vector<1000x128xf32>
    %get3A_9 = arith.constant 0 : index
    %get3A_10 = arith.constant 0 : index
    %get3A_11 = vector.load %arg5[%get3A_9, %get3A_10] : memref<128x64xf32, #tpu.memory_space<vmem>>, vector<128x64xf32>
    %dot_general3A = arith.constant dense<0.000000e+00> : vector<1000x64xf32>
    %dot_general3A_12 = tpu.matmul %mul3A_8, %get3A_11, %dot_general3A {dimension_numbers = #tpu.dot_dimension_numbers<[1], [0], [0], [1], [0, 0, 1, 1], [], []>, transpose_lhs_hint = false} : vector<1000x128xf32>, vector<128x64xf32>, vector<1000x64xf32> -> vector<1000x64xf32>
    %get3A_13 = arith.constant 0 : index
    %get3A_14 = arith.constant 0 : index
    %get3A_15 = vector.load %arg3[%get3A_13, %get3A_14] : memref<1x64xf32, #tpu.memory_space<vmem>>, vector<1x64xf32>
    %add3A_16 = vector.broadcast %get3A_15 : vector<1x64xf32> to vector<1000x64xf32>
    %add3A_17 = arith.addf %dot_general3A_12, %add3A_16 : vector<1000x64xf32>
    %logistic3A = arith.negf %add3A_17 : vector<1000x64xf32>
    %logistic3A_18 = math.exp %logistic3A : vector<1000x64xf32>
    %logistic3A_19 = arith.constant 1.000000e+00 : f32
    %logistic3A_20 = vector.broadcast %logistic3A_19 : f32 to vector<1000x64xf32>
    %logistic3A_21 = arith.addf %logistic3A_20, %logistic3A_18 : vector<1000x64xf32>
    %logistic3A_22 = arith.divf %logistic3A_20, %logistic3A_21 : vector<1000x64xf32>
    %add3A_23 = arith.constant 9.99999993E-9 : f32
    %add3A_24 = vector.broadcast %add3A_23 : f32 to vector<1000x64xf32>
    %add3A_25 = arith.addf %logistic3A_22, %add3A_24 : vector<1000x64xf32>
    %swap3A = arith.constant 0 : index
    %swap3A_26 = arith.constant 0 : index
    %swap3A_27 = vector.load %arg6[%swap3A, %swap3A_26] : memref<1000x64xf32, #tpu.memory_space<vmem>>, vector<1000x64xf32>
    tpu.vector_store %arg6[%swap3A, %swap3A_26], %add3A_25 {strides = array<i32>} : memref<1000x64xf32, #tpu.memory_space<vmem>>, vector<1000x64xf32>,
    return
  }
  func.func @transform_0(%arg0: i32) -> (i32, i32) {
    %c0_i32 = arith.constant 0 : i32
    %c0_i32_0 = arith.constant 0 : i32
    return %arg0, %c0_i32 : i32, i32
  }
  func.func @transform_1(%arg0: i32) -> (i32, i32) {
    %c0_i32 = arith.constant 0 : i32
    %c0_i32_0 = arith.constant 0 : i32
    return %arg0, %c0_i32 : i32, i32
  }
  func.func @transform_2(%arg0: i32) -> (i32, i32) {
    %c0_i32 = arith.constant 0 : i32
    %c0_i32_0 = arith.constant 0 : i32
    %c0_i32_1 = arith.constant 0 : i32
    return %c0_i32, %c0_i32_0 : i32, i32
  }
  func.func @transform_3(%arg0: i32) -> (i32, i32) {
    %c0_i32 = arith.constant 0 : i32
    %c0_i32_0 = arith.constant 0 : i32
    return %arg0, %c0_i32 : i32, i32
  }
  func.func @transform_4(%arg0: i32) -> (i32, i32) {
    %c0_i32 = arith.constant 0 : i32
    %c0_i32_0 = arith.constant 0 : i32
    %c0_i32_1 = arith.constant 0 : i32
    return %c0_i32, %c0_i32_0 : i32, i32
  }
  func.func @transform_5(%arg0: i32) -> (i32, i32) {
    %c0_i32 = arith.constant 0 : i32
    %c0_i32_0 = arith.constant 0 : i32
    return %arg0, %c0_i32 : i32, i32
  }
}

</mosaic_0001>

<sc_bundles>
// kernel: kernel.10.cloned.1.call-start
scs
__scs_entry_jumppad:
0x0: {  	(pc) =	sbr.rel $0x88, $3  }
0x1: {  	(tag) =	ssettag $0x0;
	lr =	simm.s32 $0x1  }
0x2: {  	[smem:$0x3F99] =	sst lr;
	_ =	strace $0xD0000000  }
0x3: {  	_ = 	snop  }
0x4: {  	_ = 	snop  }
0x5: {  	_ = 	snop  }
0x6: {  	_ = 	snop  }
0x7: {  	_ = 	snop  }
__scs_overlays_trampoline_lowered:
0x8: {  	[smem:$0x3FA8] =	sst s0  }
0x9: {  	[smem:$0x3FA9] =	sst s1  }
0xa: {  	[smem:$0x3FAA] =	sst s2  }
0xb: {  	[smem:$0x3FAB] =	sst s3  }
0xc: {  	[smem:$0x3FAC] =	sst s4  }
0xd: {  	[smem:$0x3FAD] =	sst s5  }
0xe: {  	[smem:$0x3FAE] =	sst s6  }
0xf: {  	[smem:$0x3FAF] =	sst s7  }
0x10: {  	[smem:$0x3FB0] =	sst s8  }
0x11: {  	[smem:$0x3FB1] =	sst s9;
	s0 =	simm.s32 @!p0 $0x0  }
0x12: {  	s1 =	sld [smem:$0x3F97];
	s0 =	simm.s32 @p0 $0x1  }
0x13: {  	[smem:$0x3FB2] =	sst s0;
	s0 =	simm.s32 @!p1 $0x0  }
0x14: {  	s2 =	sld [smem:$0x3F96];
	s0 =	simm.s32 @p1 $0x1  }
0x15: {  	[smem:$0x3FB3] =	sst s0;
	s0 =	simm.s32 @!p2 $0x0  }
0x16: {  	s3 =	sld [smem:$0x3FDB];
	s0 =	simm.s32 @p2 $0x1  }
0x17: {  	s4 =	simm.s32 $0x1BF5;
	[smem:$0x3FB5] =	sst s0  }
0x18: {  	s0 =	sld [smem:$0x3F98];
	_ =	swait.ge [sflag:s4], $0x0  }
0x19: {  	s7 =	sld [smem:$0x3F99]  }
0x1a: {  	s8 =	sadd.s32 $0xFFFFE003, lr  }
0x1b: {  	s9 =	sadd.s32 $0xFFFFFEF7, lr;
	s5 =	simm.s32 $0xFFFFFFFF;
	p2 =	slt.u32 s8, $0xFFFFF086  }
0x1c: {  	p1 =	slt.u32 s9, $0xF7A;
	s5 =	simm.s32 @!p2 $0x0  }
0x1d: {  	s5 =	simm.s32 @p1 $0x1;
	p0 =	seq.s32 s7, s2  }
0x1e: {  	s7 =	smul.u32 @!p0 $0xF7A, s2;
	p2 =	seq.s32 @!p0 s5, $0x0  }
0x1f: {  	s9 =	smul.u32 $0xF7A, s1;
	s8 =	simm.s32 @!p0 $0x1BF5;
	p2 =	por !p2, p0  }
0x20: {  	[sflag:s8] =	ssyncset.s32 @!p0 $0xFFFFF086;
	s6 =	sadd.s32 @!p0 s3, s7;
	s7 =	simm.s32 @!p0 $0x108  }
0x21: {  	s3 =	sadd.s32 s3, s9;
	s6 =	sadd.s32 @!p0 $0x88, s6;
	s7 =	simm.s32 @p2 $0x1082  }
0x22: {  	[simem:s7], [sflag:s8] =	dma.local @!p0 [hbm:s6], $0xF7A  }
0x23: {  	s9 =	sor.u32 $0xD0000000, s2;
	s6 =	simm.s32 $0x108;
	_ =	swait.ge @!p0 [sflag:s8], $0x0  }
0x24: {  	s3 =	sadd.s32 $0x88, s3;
	s6 =	simm.s32 @!p1 $0x1082;
	[sflag:s4] =	ssyncset.s32 $0xFFFFF086  }
0x25: {  	[simem:s6], [sflag:s4] =	dma.local [hbm:s3], $0xF7A  }
0x26: {  	[smem:$0x3F99] =	sst s1;
	(tag) =	ssettag s2;
	_ =	strace s9  }
0x27: {  	s1 =	sld [smem:$0x3FA9]  }
0x28: {  	s2 =	sld [smem:$0x3FAA]  }
0x29: {  	s4 =	sld [smem:$0x3FAC]  }
0x2a: {  	p0 =	seq.s32 s5, $0x0;
	s5 =	sld [smem:$0x3FAD]  }
0x2b: {  	s6 =	sld [smem:$0x3FAE]  }
0x2c: {  	s7 =	sld [smem:$0x3FAF]  }
0x2d: {  	s3 =	simm.s32 $0x108;
	s8 =	sld [smem:$0x3FB0]  }
0x2e: {  	s3 =	simm.s32 @!p0 $0x1082;
	s9 =	sld [smem:$0x3FB1]  }
0x2f: {  	lr =	sadd.s32 s0, s3;
	s0 =	sld [smem:$0x3FA8]  }
0x30: {  	s3 =	sld [smem:$0x3FAB]  }
0x31: {  	[smem:$0x3FB4] =	sst s10  }
0x32: {  	s10 =	sld [smem:$0x3FB2];
	_ =	sdelay $0x3  }
0x33: {  	p0 =	seq.s32 s10, $0x1;
	s10 =	sld [smem:$0x3FB4];
	_ =	sdelay $0x3  }
0x34: {  	[smem:$0x3FB4] =	sst s10  }
0x35: {  	s10 =	sld [smem:$0x3FB3];
	_ =	sdelay $0x3  }
0x36: {  	p1 =	seq.s32 s10, $0x1;
	s10 =	sld [smem:$0x3FB4];
	_ =	sdelay $0x3  }
0x37: {  	[smem:$0x3FB4] =	sst s10  }
0x38: {  	s10 =	sld [smem:$0x3FB5]  }
0x39: {  	_ = 	snop;
	(pc) =	sbr.ind lr, $3  }
0x3a: {  	_ = 	snop  }
0x3b: {  	_ = 	snop  }
0x3c: {  	p2 =	seq.s32 s10, $0x1;
	s10 =	sld [smem:$0x3FB4]  }
0x3d: {  	_ =	shalt  }
0x3e: {  	_ =	shalt  }
0x3f: {  	_ =	shalt  }
0x40: {  	_ =	shalt  }
0x41: {  	_ =	shalt  }
0x42: {  	_ =	shalt  }
0x43: {  	_ =	shalt  }
0x44: {  	_ =	shalt  }
0x45: {  	_ =	shalt  }
0x46: {  	_ =	shalt  }
0x47: {  	_ =	shalt  }
0x48: {  	_ =	shalt  }
0x49: {  	_ =	shalt  }
0x4a: {  	_ =	shalt  }
0x4b: {  	_ =	shalt  }
0x4c: {  	_ =	shalt  }
0x4d: {  	_ =	shalt  }
0x4e: {  	_ =	shalt  }
0x4f: {  	_ =	shalt  }
0x50: {  	_ =	shalt  }
0x51: {  	_ =	shalt  }
0x52: {  	_ =	shalt  }
0x53: {  	_ =	shalt  }
0x54: {  	_ =	shalt  }
0x55: {  	_ =	shalt  }
0x56: {  	_ =	shalt  }
0x57: {  	_ =	shalt  }
0x58: {  	_ =	shalt  }
0x59: {  	_ =	shalt  }
0x5a: {  	_ =	shalt  }
0x5b: {  	_ =	shalt  }
0x5c: {  	_ =	shalt  }
0x5d: {  	_ =	shalt  }
0x5e: {  	_ =	shalt  }
0x5f: {  	_ =	shalt  }
0x60: {  	_ =	shalt  }
0x61: {  	_ =	shalt  }
0x62: {  	_ =	shalt  }
0x63: {  	_ =	shalt  }
0x64: {  	_ =	shalt  }
0x65: {  	_ =	shalt  }
0x66: {  	_ =	shalt  }
0x67: {  	_ =	shalt  }
0x68: {  	_ =	shalt  }
0x69: {  	_ =	shalt  }
0x6a: {  	_ =	shalt  }
0x6b: {  	_ =	shalt  }
0x6c: {  	_ =	shalt  }
0x6d: {  	_ =	shalt  }
0x6e: {  	_ =	shalt  }
0x6f: {  	_ =	shalt  }
0x70: {  	_ =	shalt  }
0x71: {  	_ =	shalt  }
0x72: {  	_ =	shalt  }
0x73: {  	_ =	shalt  }
0x74: {  	_ =	shalt  }
0x75: {  	_ =	shalt  }
0x76: {  	_ =	shalt  }
0x77: {  	_ =	shalt  }
0x78: {  	_ =	shalt  }
0x79: {  	_ =	shalt  }
0x7a: {  	_ =	shalt  }
0x7b: {  	_ =	shalt  }
0x7c: {  	_ =	shalt  }
0x7d: {  	_ =	shalt  }
0x7e: {  	_ =	shalt  }
0x7f: {  	_ =	shalt  }
0x80: {  	_ =	shalt  }
0x81: {  	_ =	shalt  }
0x82: {  	_ =	shalt  }
0x83: {  	_ =	shalt  }
0x84: {  	_ =	shalt  }
0x85: {  	_ =	shalt  }
0x86: {  	_ =	shalt  }
0x87: {  	_ =	shalt  }
.Lfunc_end0:
.L_simem_size_0:
called_computation_lowered:
.L_overlay_start_0:
0x88: {  	s2 =	sld [smem:$0x3FD9]  }
0x89: {  	s3 =	sld [smem:$0x3FFE];
	_ =	sdelay $0x1  }
0x8a: {  	s1 =	srdreg.scid  }
0x8b: {  	s0 =	sand.u32 $0x1, s1  }
0x8c: {  	s17 =	sshll.u32 s0, $0xA;
	s2 =	sadd.s32 s3, s2  }
0x8d: {  	s2 =	sadd.s32 s2, s17  }
0x8e: {  	[smem:$0x3FC0] =	sst s2  }
0x8f: {  	_ = 	snop  }
0x90: {  	s2 =	sld [smem:$0x3FD0];
	(tm) =	ssettm $0x1  }
0x91: {  	s18 =	sld [smem:$0x3FFB];
	_ =	sdelay $0x3  }
0x92: {  	_ =	strace s18  }
0x93: {  	s3 =	sld [smem:$0x3FFC];
	_ =	sdelay $0x3  }
0x94: {  	_ =	strace s3  }
0x95: {  	s3 =	sld [smem:$0x3FFD];
	_ =	sdelay $0x3  }
0x96: {  	_ =	strace s3  }
0x97: {  	_ =	strace $0x8FFFFFFF  }
0x98: {  	s19 =	sld [smem:$0x3FDB];
	_ =	sdelay $0x1  }
0x99: {  	s4 =	simm.s32 $_scs_section_size  }
0x9a: {  	s5 =	simm.s32 $_size__tile_overlayer_lowered;
	s6 =	simm.s32 $_tile_overlayer_lowered  }
0x9b: {  	s22 =	simm.s32 $0x1BFF;
	s21 =	sshll.u32 s6, $0x1;
	s3 =	sadd.s32 s4, s19  }
0x9c: {  	s7 =	simm.s32 $0x0;
	s20 =	sshll.u32 s5, $0x1;
	s5 =	sadd.s32 s21, s3  }
0x9d: {  	[timem:s7], [sflag:s22] =	dma.local [hbm:s5], s20  }
0x9e: {  	_ =	swait.ge [sflag:s22], s20  }
0x9f: {  	s4 =	ssub.s32 $0x0, s20;
	[sflag:s22] =	ssyncset.done $0x0  }
0xa0: {  	[sflag:s22] =	ssyncadd.s32 s4;
	_ =	sdelay $0x1  }
0xa1: {  	s23 =	simm.s32 $0x1B8B  }
0xa2: {  	_ =	swait.ge [sflag:s23], $0x1  }
0xa3: {  	[sflag:s23] =	ssyncset.done $0x0  }
0xa4: {  	s25 =	simm.s32 $0x1B8E;
	s24 =	sld [smem:$0x3FFE];
	[sflag:s23] =	ssyncadd.s32 $0xFFFFFFFF  }
0xa5: {  	s26 =	simm.s32 $execute0_lowered;
	[smem:$0x3FD2] =	sst s25  }
0xa6: {  	s5 =	sshll.u32 s26, $0x1;
	_ =	strace $0x80000046;
	[dreg:$0x1] =	wrdreg $0xFFFFFFFF  }
0xa7: {  	s28 =	simm.s32 $_size_execute0_lowered;
	s3 =	sadd.s32 s3, s5;
	[dreg:$0x0] =	wrdreg $0x0  }
0xa8: {  	s5 =	sshll.u32 s28, $0x1;
	[dreg:$0x2] =	wrdreg s3  }
0xa9: {  	[dreg:$0x3] =	wrdreg s5  }
0xaa: {  	[dreg:$0x4] =	wrdreg $0xC0  }
0xab: {  	_ =	task [dreg:s7], $0x5FFFF  }
0xac: {  	[dreg:$0x1] =	wrdreg $0xFFFFFFFF  }
0xad: {  	[dreg:$0x0] =	wrdreg $0x60  }
0xae: {  	[dreg:$0x2] =	wrdreg s24  }
0xaf: {  	[dreg:$0x3] =	wrdreg s2  }
0xb0: {  	[dreg:$0x4] =	wrdreg $0x51000  }
0xb1: {  	[dreg:$0x5] =	wrdreg $0x9  }
0xb2: {  	_ =	task.clear_ibuf [dreg:s7], $0x6FFFF;
	_ =	strace $0x90000046  }
0xb3: {  	s29 =	simm.s32 $0x9;
	_ =	strace $0x80000048  }
0xb4: {  	_ =	swait.ge [sflag:s29], $0x1  }
0xb5: {  	[sflag:s29] =	ssyncadd.s32 $0xFFFFFFFF  }
0xb6: {  	_ =	strace $0x90000048  }
0xb7: {  	_ =	sfence  }
0xb8: {  	s30 =	sld [smem:$0x0];
	_ =	sdelay $0x2  }
0xb9: {  	s31 =	sshll.u32 s1, $0xD;
	s1 =	sshrl.u32 s1, $0x2  }
0xba: {  	s3 =	sand.u32 $0x4000, s31;
	s1 =	sadd.s32 s1, s30  }
0xbb: {  	s0 =	sor.u32 s3, s0;
	s1 =	sshll.u32 s1, $0x11  }
0xbc: {  	s0 =	sor.u32 s1, s0  }
0xbd: {  	s0 =	sadd.s32 $0x8F2B, s0  }
0xbe: {  	[sflag:s0] =	ssyncadd.remote.s32 $0x1  }
0xbf: {  	_ =	sfence.sel $0xFFFF  }
0xc0: {  	[dreg:$0x0] =	wrdreg $0xFFFFFFFF;
	(pc) =	sbr.abs _section_cstart, $3  }
0xc1: {  	[dreg:$0x1] =	wrdreg $0xFFFFFFFF  }
0xc2: {  	_ =	task.clear_ibuf [dreg:s7], $0x2FFFF;
	_ =	strace $0x9FFFFFFF  }
0xc3: {  	(tm) =	ssettm $0x7FFFFFFF  }
tec
execute0_lowered:
.L_overlay_start_1:
0x0: {  	(tag) =	ssettag $0x1  }
0x1: {  	s7 =	rddreg [dreg:$0x0];
	s1 =	srdreg.scid  }
0x2: {  	s0 =	stileid.u32;
	s9 =	rddreg [dreg:$0x1]  }
0x3: {  	s2 =	rddreg [dreg:$0x2];
	s4 =	smul.u32 $0x4E20, s0  }
0x4: {  	s3 =	simm.s32 $0x0;
	s16 =	simm.s32 $0x80;
	s11 =	smul.u32 $0x13C00, s0  }
0x5: {  	s17 =	simm.s32 $0x50;
	s8 =	sand.u32 $0x1, s1;
	s13 =	smul.u32 $0x4F000, s0  }
0x6: {  	s18 =	simm.s32 $0x0;
	s1 =	rddreg [dreg:$0x3];
	s5 =	smul.u32 $0x2710, s8  }
0x7: {  	[smem:$0x7FF] =	sst s3;
	s14 =	sshll.u32 s0, $0x6;
	s6 =	smul.u32 $0x13C000, s8  }
0x8: {  	_ =	strace $0x80000047;
	s8 =	ssub.s32 $0x2, s8;
	s14 =	sor.u32 $0x1C01, s14  }
0x9: {  	s31 =	sshrl.u32 s8, $0x1;
	s13 =	sshrl.u32 s13, $0x2;
	s4 =	sadd.s32 s5, s4  }
0xa: {  	s5 =	sadd.s32 $0xF400, s7;
	s11 =	sadd.s32 s11, s6;
	s6 =	sadd.s32 $0xCC00, s7  }
0xb: {  	s8 =	ssub.s32 s8, s31;
	s15 =	sadd.s32 s13, s2;
	s13 =	simm.s32 $0x2900  }
0xc: {  	s10 =	sshrl.u32 s4, $0x3;
	s4 =	sadd.s32 $0xFA00, s7;
	s11 =	sshrl.u32 s11, $0x3  }
0xd: {  	s8 =	smax.u32 s8, $0x1;
	s15 =	sshrl.u32 s15, $0x3;
	s12 =	sadd.s32 s10, s7  }
0xe: {  	s7 =	sadd.s32 s11, s7;
	s9 =	sadd.s32 s10, s9;
	s11 =	simm.s32 $0x100  }
0xf: {  	s7 =	sadd.s32 $0x10000, s7;
	s10 =	sadd.s32 $0x2E00, s12;
	s12 =	simm.s32 $0x1  }
.LBB2_1:
0x10: {  	[tilespmem:s11], [sflag:$0x1] =	stream.linear.gather [hbm4b:s4+s3], $0x2800, $0x38;
	[tilespmem:$0x18D00] =	vst v63  }
0x11: {  	_ =	swait.ge [sflag:s12], $0x2800  }
0x12: {  	[sflag:s12] =	ssyncset.done $0x0  }
0x13: {  	[sflag:s12] =	ssyncadd.s32 $0xFFFFD800  }
0x14: {  	[tilespmem:s13], [sflag:$0x1] =	stream.linear.gather [hbm4b:s5+s3], $0x2800, $0x38;
	[tilespmem:$0x18D00] =	vst v63  }
0x15: {  	_ =	swait.ge [sflag:s12], $0x2800  }
0x16: {  	[sflag:s12] =	ssyncset.done $0x0  }
0x17: {  	[sflag:s12] =	ssyncadd.s32 $0xFFFFD800  }
0x18: {  	[spmem:s15], [sflag:s14] =	dma.local [hbm:s6], $0x2780  }
0x19: {  	_ =	swait.ge [sflag:s12], $0x2780  }
0x1a: {  	[sflag:s12] =	ssyncset.done $0x0  }
0x1b: {  	[sflag:s12] =	ssyncadd.s32 $0xFFFFD880  }
0x1c: {  	s19 =	sadd.s32 $0x0, s10;
	[bflag:$0x0] =	sbarrier.arrive $0xFFFF  }
0x1d: {  	[tilespmem:s3], [sflag:$0x1] =	stream.linear.gather [hbm4b:s19+s3], $0x50, $0x38;
	[tilespmem:$0x18D00] =	vst v63  }
0x1e: {  	_ =	swait.ge [sflag:s12], $0x50  }
0x1f: {  	[sflag:s12] =	ssyncset.done $0x0  }
0x20: {  	s31 =	sadd.s32 $0x0, s9;
	[sflag:s12] =	ssyncadd.s32 $0xFFFFFFB0  }
0x21: {  	[tilespmem:s16], [sflag:$0x1] =	stream.linear.gather [hbm4b:s31+s3], $0x50, $0x38;
	[tilespmem:$0x18D00] =	vst v63  }
0x22: {  	_ =	swait.ge [sflag:s12], $0x50  }
0x23: {  	[sflag:s12] =	ssyncset.done $0x0  }
0x24: {  	[sflag:s12] =	ssyncadd.s32 $0xFFFFFFB0  }
0x25: {  	[spmem:s2] =	stream.indirect.scatter.add.f32 [tilespmem:s11], [sflag:$0x1], $0x80, s3, s17, $0xb8;
	[tilespmem:$0x18D00] =	vst v63  }
0x26: {  	_ =	swait.ge [sflag:s12], $0x2800  }
0x27: {  	[sflag:s12] =	ssyncset.done $0x0  }
0x28: {  	[sflag:s12] =	ssyncadd.s32 $0xFFFFD800  }
0x29: {  	[spmem:s2] =	stream.indirect.scatter.add.f32 [tilespmem:s13], [sflag:$0x1], $0x80, s16, s17, $0xb8;
	[tilespmem:$0x18D00] =	vst v63  }
0x2a: {  	_ =	swait.ge [sflag:s12], $0x2800  }
0x2b: {  	s20 =	simm.s32 $0x14;
	s19 =	simm.s32 $0xA;
	[sflag:s12] =	ssyncset.done $0x0  }
.LBB2_2:
0x2c: {  	s21 =	sadd.s32 s19, s10  }
0x2d: {  	[sflag:s12] =	ssyncadd.s32 $0xFFFFD800;
	s22 =	smov.u32 s20;
	s23 =	sadd.s32 $0xA, s20  }
0x2e: {  	[tilespmem:s3], [sflag:$0x1] =	stream.linear.gather [hbm4b:s21+s3], $0x50, $0x38;
	[tilespmem:$0x18D00] =	vst v63  }
0x2f: {  	p0 =	sne.s32 s20, $0x4D8;
	_ =	swait.ge [sflag:s12], $0x50  }
0x30: {  	[sflag:s12] =	ssyncset.done $0x0  }
0x31: {  	s20 =	sadd.s32 s19, s9;
	s19 =	smov.u32 s22;
	[sflag:s12] =	ssyncadd.s32 $0xFFFFFFB0  }
0x32: {  	[tilespmem:s16], [sflag:$0x1] =	stream.linear.gather [hbm4b:s20+s3], $0x50, $0x38;
	[tilespmem:$0x18D00] =	vst v63  }
0x33: {  	_ =	swait.ge [sflag:s12], $0x50  }
0x34: {  	[sflag:s12] =	ssyncset.done $0x0  }
0x35: {  	[sflag:s12] =	ssyncadd.s32 $0xFFFFFFB0  }
0x36: {  	[spmem:s2] =	stream.indirect.scatter.add.f32 [tilespmem:s11], [sflag:$0x1], $0x80, s3, s17, $0xb8;
	[tilespmem:$0x18D00] =	vst v63  }
0x37: {  	_ =	swait.ge [sflag:s12], $0x2800  }
.Ltmp0:
0x38: {  	[sflag:s12] =	ssyncset.done $0x0;
	(pc) =	sbr.rel @p0 .LBB2_2-.Ltmp0, $4  }
0x39: {  	[sflag:s12] =	ssyncadd.s32 $0xFFFFD800  }
0x3a: {  	[spmem:s2] =	stream.indirect.scatter.add.f32 [tilespmem:s13], [sflag:$0x1], $0x80, s16, s17, $0xb8;
	[tilespmem:$0x18D00] =	vst v63  }
0x3b: {  	_ =	swait.ge [sflag:s12], $0x2800  }
0x3c: {  	s20 =	smov.u32 s23;
	[sflag:s12] =	ssyncset.done $0x0  }
0x3d: {  	s20 =	sadd.s32 s19, s10;
	[sflag:s12] =	ssyncadd.s32 $0xFFFFD800  }
0x3e: {  	[tilespmem:s3], [sflag:$0x1] =	stream.linear.gather [hbm4b:s20+s3], $0x50, $0x38;
	[tilespmem:$0x18D00] =	vst v63  }
0x3f: {  	_ =	swait.ge [sflag:s12], $0x50  }
0x40: {  	[sflag:s12] =	ssyncset.done $0x0  }
0x41: {  	s31 =	sadd.s32 s19, s9;
	[sflag:s12] =	ssyncadd.s32 $0xFFFFFFB0  }
0x42: {  	[tilespmem:s16], [sflag:$0x1] =	stream.linear.gather [hbm4b:s31+s3], $0x50, $0x38;
	[tilespmem:$0x18D00] =	vst v63  }
0x43: {  	_ =	swait.ge [sflag:s12], $0x50  }
0x44: {  	[sflag:s12] =	ssyncset.done $0x0  }
0x45: {  	[sflag:s12] =	ssyncadd.s32 $0xFFFFFFB0  }
0x46: {  	[spmem:s2] =	stream.indirect.scatter.add.f32 [tilespmem:s11], [sflag:$0x1], $0x80, s3, s17, $0xb8;
	[tilespmem:$0x18D00] =	vst v63  }
0x47: {  	_ =	swait.ge [sflag:s12], $0x2800  }
0x48: {  	[sflag:s12] =	ssyncset.done $0x0  }
0x49: {  	[sflag:s12] =	ssyncadd.s32 $0xFFFFD800  }
0x4a: {  	[spmem:s2] =	stream.indirect.scatter.add.f32 [tilespmem:s13], [sflag:$0x1], $0x80, s16, s17, $0xb8;
	[tilespmem:$0x18D00] =	vst v63  }
0x4b: {  	_ =	swait.ge [sflag:s12], $0x2800  }
0x4c: {  	s18 =	sadd.s32 $0x1, s18;
	[sflag:s12] =	ssyncset.done $0x0  }
0x4d: {  	p0 =	sne.s32 s18, s8;
	[sflag:s12] =	ssyncadd.s32 $0xFFFFD800  }
.Ltmp1:
0x4e: {  	[bflag:$0x0] =	sbarrier.arrive $0xFFFF;
	(pc) =	sbr.rel @p0 .LBB2_1-.Ltmp1, $4  }
0x4f: {  	[hbm:s7], [sflag:s14] =	dma.local [spmem:s15], $0x2780  }
0x50: {  	_ =	swait.ge [sflag:s12], $0x2780  }
0x51: {  	[sflag:s12] =	ssyncset.done $0x0  }
0x52: {  	[sflag:s12] =	ssyncadd.s32 $0xFFFFD880  }
0x53: {  	_ =	sfence.sel $0x180000  }
0x54: {  	[bflag:$0x0] =	sbarrier.arrive $0xFFFF  }
0x55: {  	p0 =	sne.s32 s0, $0x0;
	_ =	strace $0x90000047  }
0x56: {  	s0 =	sadd.s32 @!p0 $0x100000, s1;
	[bflag:$0x2] =	sbarrier.arrive $0xFFFF  }
0x57: {  	[sflag:s0] =	ssyncadd.tile.s32 @!p0 $0x1;
	_ =	shalt  }
.Lfunc_end2:
_tile_overlayer_lowered:
.L_overlay_start_2:
0x58: {  	(tag) =	ssettag $0x2  }
0x59: {  	s0 =	rddreg [dreg:$0x0];
	s2 =	stileid.u32  }
0x5a: {  	s1 =	rddreg [dreg:$0x1];
	p0 =	sne.s32 s2, $0x0  }
0x5b: {  	s3 =	rddreg [dreg:$0x2];
	[bflag:$0x3] =	sbarrier.arrive $0xFFFF;
	s2 =	simm.s32 @!p0 $0x1C01  }
0x5c: {  	[timem:s3], [sflag:s2] =	dma.local @!p0 [hbm:s0], s1  }
0x5d: {  	s0 =	simm.s32 @!p0 $0x1  }
0x5e: {  	_ =	swait.ge @!p0 [sflag:s0], s1  }
0x5f: {  	s1 =	ssub.s32 @!p0 $0x0, s1;
	[sflag:s0] =	ssyncset.done @!p0 $0x0  }
0x60: {  	[sflag:s0] =	ssyncadd.s32 @!p0 s1  }
0x61: {  	[bflag:$0x3] =	sbarrier.arrive $0xFFFF  }
0x62: {  	_ =	shalt  }

// kernel: kernel.13.cloned.1.call-start
scs
__scs_entry_jumppad:
0x0: {  	(pc) =	sbr.rel $0x88, $3  }
0x1: {  	(tag) =	ssettag $0x0;
	lr =	simm.s32 $0x1  }
0x2: {  	[smem:$0x3F99] =	sst lr;
	_ =	strace $0xD0000000  }
0x3: {  	_ = 	snop  }
0x4: {  	_ = 	snop  }
0x5: {  	_ = 	snop  }
0x6: {  	_ = 	snop  }
0x7: {  	_ = 	snop  }
__scs_overlays_trampoline_lowered:
0x8: {  	[smem:$0x3FA8] =	sst s0  }
0x9: {  	[smem:$0x3FA9] =	sst s1  }
0xa: {  	[smem:$0x3FAA] =	sst s2  }
0xb: {  	[smem:$0x3FAB] =	sst s3  }
0xc: {  	[smem:$0x3FAC] =	sst s4  }
0xd: {  	[smem:$0x3FAD] =	sst s5  }
0xe: {  	[smem:$0x3FAE] =	sst s6  }
0xf: {  	[smem:$0x3FAF] =	sst s7  }
0x10: {  	[smem:$0x3FB0] =	sst s8  }
0x11: {  	[smem:$0x3FB1] =	sst s9;
	s0 =	simm.s32 @!p0 $0x0  }
0x12: {  	s1 =	sld [smem:$0x3F97];
	s0 =	simm.s32 @p0 $0x1  }
0x13: {  	[smem:$0x3FB2] =	sst s0;
	s0 =	simm.s32 @!p1 $0x0  }
0x14: {  	s2 =	sld [smem:$0x3F96];
	s0 =	simm.s32 @p1 $0x1  }
0x15: {  	[smem:$0x3FB3] =	sst s0;
	s0 =	simm.s32 @!p2 $0x0  }
0x16: {  	s3 =	sld [smem:$0x3FDB];
	s0 =	simm.s32 @p2 $0x1  }
0x17: {  	s4 =	simm.s32 $0x1BF5;
	[smem:$0x3FB5] =	sst s0  }
0x18: {  	s0 =	sld [smem:$0x3F98];
	_ =	swait.ge [sflag:s4], $0x0  }
0x19: {  	s7 =	sld [smem:$0x3F99]  }
0x1a: {  	s8 =	sadd.s32 $0xFFFFE003, lr  }
0x1b: {  	s9 =	sadd.s32 $0xFFFFFEF7, lr;
	s5 =	simm.s32 $0xFFFFFFFF;
	p2 =	slt.u32 s8, $0xFFFFF086  }
0x1c: {  	p1 =	slt.u32 s9, $0xF7A;
	s5 =	simm.s32 @!p2 $0x0  }
0x1d: {  	s5 =	simm.s32 @p1 $0x1;
	p0 =	seq.s32 s7, s2  }
0x1e: {  	s7 =	smul.u32 @!p0 $0xF7A, s2;
	p2 =	seq.s32 @!p0 s5, $0x0  }
0x1f: {  	s9 =	smul.u32 $0xF7A, s1;
	s8 =	simm.s32 @!p0 $0x1BF5;
	p2 =	por !p2, p0  }
0x20: {  	[sflag:s8] =	ssyncset.s32 @!p0 $0xFFFFF086;
	s6 =	sadd.s32 @!p0 s3, s7;
	s7 =	simm.s32 @!p0 $0x108  }
0x21: {  	s3 =	sadd.s32 s3, s9;
	s6 =	sadd.s32 @!p0 $0x88, s6;
	s7 =	simm.s32 @p2 $0x1082  }
0x22: {  	[simem:s7], [sflag:s8] =	dma.local @!p0 [hbm:s6], $0xF7A  }
0x23: {  	s9 =	sor.u32 $0xD0000000, s2;
	s6 =	simm.s32 $0x108;
	_ =	swait.ge @!p0 [sflag:s8], $0x0  }
0x24: {  	s3 =	sadd.s32 $0x88, s3;
	s6 =	simm.s32 @!p1 $0x1082;
	[sflag:s4] =	ssyncset.s32 $0xFFFFF086  }
0x25: {  	[simem:s6], [sflag:s4] =	dma.local [hbm:s3], $0xF7A  }
0x26: {  	[smem:$0x3F99] =	sst s1;
	(tag) =	ssettag s2;
	_ =	strace s9  }
0x27: {  	s1 =	sld [smem:$0x3FA9]  }
0x28: {  	s2 =	sld [smem:$0x3FAA]  }
0x29: {  	s4 =	sld [smem:$0x3FAC]  }
0x2a: {  	p0 =	seq.s32 s5, $0x0;
	s5 =	sld [smem:$0x3FAD]  }
0x2b: {  	s6 =	sld [smem:$0x3FAE]  }
0x2c: {  	s7 =	sld [smem:$0x3FAF]  }
0x2d: {  	s3 =	simm.s32 $0x108;
	s8 =	sld [smem:$0x3FB0]  }
0x2e: {  	s3 =	simm.s32 @!p0 $0x1082;
	s9 =	sld [smem:$0x3FB1]  }
0x2f: {  	lr =	sadd.s32 s0, s3;
	s0 =	sld [smem:$0x3FA8]  }
0x30: {  	s3 =	sld [smem:$0x3FAB]  }
0x31: {  	[smem:$0x3FB4] =	sst s10  }
0x32: {  	s10 =	sld [smem:$0x3FB2];
	_ =	sdelay $0x3  }
0x33: {  	p0 =	seq.s32 s10, $0x1;
	s10 =	sld [smem:$0x3FB4];
	_ =	sdelay $0x3  }
0x34: {  	[smem:$0x3FB4] =	sst s10  }
0x35: {  	s10 =	sld [smem:$0x3FB3];
	_ =	sdelay $0x3  }
0x36: {  	p1 =	seq.s32 s10, $0x1;
	s10 =	sld [smem:$0x3FB4];
	_ =	sdelay $0x3  }
0x37: {  	[smem:$0x3FB4] =	sst s10  }
0x38: {  	s10 =	sld [smem:$0x3FB5]  }
0x39: {  	_ = 	snop;
	(pc) =	sbr.ind lr, $3  }
0x3a: {  	_ = 	snop  }
0x3b: {  	_ = 	snop  }
0x3c: {  	p2 =	seq.s32 s10, $0x1;
	s10 =	sld [smem:$0x3FB4]  }
0x3d: {  	_ =	shalt  }
0x3e: {  	_ =	shalt  }
0x3f: {  	_ =	shalt  }
0x40: {  	_ =	shalt  }
0x41: {  	_ =	shalt  }
0x42: {  	_ =	shalt  }
0x43: {  	_ =	shalt  }
0x44: {  	_ =	shalt  }
0x45: {  	_ =	shalt  }
0x46: {  	_ =	shalt  }
0x47: {  	_ =	shalt  }
0x48: {  	_ =	shalt  }
0x49: {  	_ =	shalt  }
0x4a: {  	_ =	shalt  }
0x4b: {  	_ =	shalt  }
0x4c: {  	_ =	shalt  }
0x4d: {  	_ =	shalt  }
0x4e: {  	_ =	shalt  }
0x4f: {  	_ =	shalt  }
0x50: {  	_ =	shalt  }
0x51: {  	_ =	shalt  }
0x52: {  	_ =	shalt  }
0x53: {  	_ =	shalt  }
0x54: {  	_ =	shalt  }
0x55: {  	_ =	shalt  }
0x56: {  	_ =	shalt  }
0x57: {  	_ =	shalt  }
0x58: {  	_ =	shalt  }
0x59: {  	_ =	shalt  }
0x5a: {  	_ =	shalt  }
0x5b: {  	_ =	shalt  }
0x5c: {  	_ =	shalt  }
0x5d: {  	_ =	shalt  }
0x5e: {  	_ =	shalt  }
0x5f: {  	_ =	shalt  }
0x60: {  	_ =	shalt  }
0x61: {  	_ =	shalt  }
0x62: {  	_ =	shalt  }
0x63: {  	_ =	shalt  }
0x64: {  	_ =	shalt  }
0x65: {  	_ =	shalt  }
0x66: {  	_ =	shalt  }
0x67: {  	_ =	shalt  }
0x68: {  	_ =	shalt  }
0x69: {  	_ =	shalt  }
0x6a: {  	_ =	shalt  }
0x6b: {  	_ =	shalt  }
0x6c: {  	_ =	shalt  }
0x6d: {  	_ =	shalt  }
0x6e: {  	_ =	shalt  }
0x6f: {  	_ =	shalt  }
0x70: {  	_ =	shalt  }
0x71: {  	_ =	shalt  }
0x72: {  	_ =	shalt  }
0x73: {  	_ =	shalt  }
0x74: {  	_ =	shalt  }
0x75: {  	_ =	shalt  }
0x76: {  	_ =	shalt  }
0x77: {  	_ =	shalt  }
0x78: {  	_ =	shalt  }
0x79: {  	_ =	shalt  }
0x7a: {  	_ =	shalt  }
0x7b: {  	_ =	shalt  }
0x7c: {  	_ =	shalt  }
0x7d: {  	_ =	shalt  }
0x7e: {  	_ =	shalt  }
0x7f: {  	_ =	shalt  }
0x80: {  	_ =	shalt  }
0x81: {  	_ =	shalt  }
0x82: {  	_ =	shalt  }
0x83: {  	_ =	shalt  }
0x84: {  	_ =	shalt  }
0x85: {  	_ =	shalt  }
0x86: {  	_ =	shalt  }
0x87: {  	_ =	shalt  }
.Lfunc_end0:
.L_simem_size_0:
called_computation.1_lowered:
.L_overlay_start_0:
0x88: {  	s2 =	sld [smem:$0x3FD9]  }
0x89: {  	s3 =	sld [smem:$0x3FFE];
	_ =	sdelay $0x1  }
0x8a: {  	s1 =	srdreg.scid  }
0x8b: {  	s0 =	sand.u32 $0x1, s1  }
0x8c: {  	s17 =	sshll.u32 s0, $0xA;
	s2 =	sadd.s32 s3, s2  }
0x8d: {  	s2 =	sadd.s32 s2, s17  }
0x8e: {  	[smem:$0x3FC0] =	sst s2  }
0x8f: {  	_ = 	snop  }
0x90: {  	s2 =	sld [smem:$0x3FD0];
	(tm) =	ssettm $0x1  }
0x91: {  	s18 =	sld [smem:$0x3FFB];
	_ =	sdelay $0x3  }
0x92: {  	_ =	strace s18  }
0x93: {  	s3 =	sld [smem:$0x3FFC];
	_ =	sdelay $0x3  }
0x94: {  	_ =	strace s3  }
0x95: {  	s3 =	sld [smem:$0x3FFD];
	_ =	sdelay $0x3  }
0x96: {  	_ =	strace s3  }
0x97: {  	_ =	strace $0x8FFFFFFF  }
0x98: {  	s19 =	sld [smem:$0x3FDB];
	_ =	sdelay $0x1  }
0x99: {  	s4 =	simm.s32 $_scs_section_size  }
0x9a: {  	s5 =	simm.s32 $_size__tile_overlayer_lowered;
	s6 =	simm.s32 $_tile_overlayer_lowered  }
0x9b: {  	s22 =	simm.s32 $0x1BFF;
	s21 =	sshll.u32 s6, $0x1;
	s3 =	sadd.s32 s4, s19  }
0x9c: {  	s7 =	simm.s32 $0x0;
	s20 =	sshll.u32 s5, $0x1;
	s5 =	sadd.s32 s21, s3  }
0x9d: {  	[timem:s7], [sflag:s22] =	dma.local [hbm:s5], s20  }
0x9e: {  	_ =	swait.ge [sflag:s22], s20  }
0x9f: {  	s4 =	ssub.s32 $0x0, s20;
	[sflag:s22] =	ssyncset.done $0x0  }
0xa0: {  	[sflag:s22] =	ssyncadd.s32 s4;
	_ =	sdelay $0x1  }
0xa1: {  	s23 =	simm.s32 $0x1B8B  }
0xa2: {  	_ =	swait.ge [sflag:s23], $0x1  }
0xa3: {  	[sflag:s23] =	ssyncset.done $0x0  }
0xa4: {  	s25 =	simm.s32 $0x1B8E;
	s24 =	sld [smem:$0x3FFE];
	[sflag:s23] =	ssyncadd.s32 $0xFFFFFFFF  }
0xa5: {  	s26 =	simm.s32 $execute0_lowered;
	[smem:$0x3FD2] =	sst s25  }
0xa6: {  	s5 =	sshll.u32 s26, $0x1;
	_ =	strace $0x80000049;
	[dreg:$0x1] =	wrdreg $0xFFFFFFFF  }
0xa7: {  	s28 =	simm.s32 $_size_execute0_lowered;
	s3 =	sadd.s32 s3, s5;
	[dreg:$0x0] =	wrdreg $0x0  }
0xa8: {  	s5 =	sshll.u32 s28, $0x1;
	[dreg:$0x2] =	wrdreg s3  }
0xa9: {  	[dreg:$0x3] =	wrdreg s5  }
0xaa: {  	[dreg:$0x4] =	wrdreg $0xC0  }
0xab: {  	_ =	task [dreg:s7], $0x5FFFF  }
0xac: {  	[dreg:$0x1] =	wrdreg $0xFFFFFFFF  }
0xad: {  	[dreg:$0x0] =	wrdreg $0x60  }
0xae: {  	[dreg:$0x2] =	wrdreg s24  }
0xaf: {  	[dreg:$0x3] =	wrdreg s2  }
0xb0: {  	[dreg:$0x4] =	wrdreg $0x29000  }
0xb1: {  	[dreg:$0x5] =	wrdreg $0x9  }
0xb2: {  	_ =	task.clear_ibuf [dreg:s7], $0x6FFFF;
	_ =	strace $0x90000049  }
0xb3: {  	s29 =	simm.s32 $0x9;
	_ =	strace $0x8000004B  }
0xb4: {  	_ =	swait.ge [sflag:s29], $0x1  }
0xb5: {  	[sflag:s29] =	ssyncadd.s32 $0xFFFFFFFF  }
0xb6: {  	_ =	strace $0x9000004B  }
0xb7: {  	_ =	sfence  }
0xb8: {  	s30 =	sld [smem:$0x0];
	_ =	sdelay $0x2  }
0xb9: {  	s31 =	sshll.u32 s1, $0xD;
	s1 =	sshrl.u32 s1, $0x2  }
0xba: {  	s3 =	sand.u32 $0x4000, s31;
	s1 =	sadd.s32 s1, s30  }
0xbb: {  	s0 =	sor.u32 s3, s0;
	s1 =	sshll.u32 s1, $0x11  }
0xbc: {  	s0 =	sor.u32 s1, s0  }
0xbd: {  	s0 =	sadd.s32 $0x8F2B, s0  }
0xbe: {  	[sflag:s0] =	ssyncadd.remote.s32 $0x1  }
0xbf: {  	_ =	sfence.sel $0xFFFF  }
0xc0: {  	[dreg:$0x0] =	wrdreg $0xFFFFFFFF;
	(pc) =	sbr.abs _section_cstart, $3  }
0xc1: {  	[dreg:$0x1] =	wrdreg $0xFFFFFFFF  }
0xc2: {  	_ =	task.clear_ibuf [dreg:s7], $0x2FFFF;
	_ =	strace $0x9FFFFFFF  }
0xc3: {  	(tm) =	ssettm $0x7FFFFFFF  }
tec
execute0_lowered:
.L_overlay_start_1:
0x0: {  	(tag) =	ssettag $0x1  }
0x1: {  	s6 =	rddreg [dreg:$0x0]  }
0x2: {  	s1 =	srdreg.scid;
	s9 =	rddreg [dreg:$0x1]  }
0x3: {  	s0 =	stileid.u32;
	s2 =	rddreg [dreg:$0x2]  }
0x4: {  	s3 =	simm.s32 $0x0;
	s15 =	simm.s32 $0x100;
	s4 =	smul.u32 $0x4E20, s0  }
0x5: {  	s16 =	simm.s32 $0x1;
	s17 =	simm.s32 $0x0;
	s10 =	smul.u32 $0x13C00, s0  }
0x6: {  	s7 =	sand.u32 $0x1, s1;
	s1 =	rddreg [dreg:$0x3];
	s29 =	smul.u32 $0x4F000, s0  }
0x7: {  	[smem:$0x7FF] =	sst s3;
	s31 =	sshll.u32 s0, $0x6;
	s5 =	smul.u32 $0x2710, s7  }
0x8: {  	s8 =	smul.u32 $0x13C000, s7;
	_ =	strace $0x8000004A;
	s7 =	ssub.s32 $0x2, s7  }
0x9: {  	s30 =	sshrl.u32 s7, $0x1;
	s5 =	sadd.s32 s5, s4;
	s4 =	sadd.s32 $0xF400, s6  }
0xa: {  	s8 =	sadd.s32 s10, s8;
	s10 =	sshrl.u32 s29, $0x2;
	s13 =	ssub.s32 s7, s30  }
0xb: {  	s11 =	sshrl.u32 s5, $0x3;
	s5 =	sadd.s32 $0xCC00, s6;
	s8 =	sshrl.u32 s8, $0x3  }
0xc: {  	s14 =	sadd.s32 s10, s2;
	s12 =	sadd.s32 s11, s6;
	s8 =	sadd.s32 s8, s6  }
0xd: {  	s6 =	sor.u32 $0x1C02, s31;
	s9 =	sadd.s32 s11, s9;
	s11 =	sshrl.u32 s14, $0x3  }
0xe: {  	s14 =	simm.s32 $0x50;
	s7 =	sadd.s32 $0x5D800, s8;
	s8 =	smax.u32 s13, $0x1  }
0xf: {  	s10 =	sadd.s32 $0x2E00, s12;
	s12 =	simm.s32 $0x2;
	s13 =	simm.s32 $0x80  }
.LBB2_1:
0x10: {  	[spmem:s11], [sflag:s6] =	dma.local [hbm:s5], $0x2780  }
0x11: {  	_ =	swait.ge [sflag:s12], $0x2780  }
0x12: {  	[sflag:s12] =	ssyncset.done $0x0  }
0x13: {  	[sflag:s12] =	ssyncadd.s32 $0xFFFFD880  }
0x14: {  	s18 =	sadd.s32 $0x0, s10;
	[bflag:$0x0] =	sbarrier.arrive $0xFFFF  }
0x15: {  	[tilespmem:s3], [sflag:$0x2] =	stream.linear.gather [hbm4b:s18+s3], $0x50, $0x38;
	[tilespmem:$0x16500] =	vst v63  }
0x16: {  	_ =	swait.ge [sflag:s12], $0x50  }
0x17: {  	[sflag:s12] =	ssyncset.done $0x0  }
0x18: {  	s31 =	sadd.s32 $0x0, s9;
	[sflag:s12] =	ssyncadd.s32 $0xFFFFFFB0  }
0x19: {  	[tilespmem:s13], [sflag:$0x2] =	stream.linear.gather [hbm4b:s31+s3], $0x50, $0x38;
	[tilespmem:$0x16500] =	vst v63  }
0x1a: {  	_ =	swait.ge [sflag:s12], $0x50  }
0x1b: {  	[sflag:s12] =	ssyncset.done $0x0  }
0x1c: {  	[sflag:s12] =	ssyncadd.s32 $0xFFFFFFB0  }
0x1d: {  	[tilespmem:s15], [sflag:$0x1] =	stream.indirect.gather [hbm4b:s4+s14], $0x80, s3, s14, $0xb8;
	[tilespmem:$0x16500] =	vst v63  }
0x1e: {  	_ =	swait.ge [sflag:s16], $0x2800  }
0x1f: {  	[sflag:s16] =	ssyncset.done $0x0  }
0x20: {  	[sflag:s16] =	ssyncadd.s32 $0xFFFFD800  }
0x21: {  	[spmem:s2] =	stream.indirect.scatter.add.f32 [tilespmem:s15], [sflag:$0x2], $0x80, s13, s14, $0xb8;
	[tilespmem:$0x16500] =	vst v63  }
0x22: {  	_ =	swait.ge [sflag:s12], $0x2800  }
0x23: {  	s19 =	simm.s32 $0x14;
	s18 =	simm.s32 $0xA;
	[sflag:s12] =	ssyncset.done $0x0  }
.LBB2_2:
0x24: {  	s20 =	sadd.s32 s18, s10  }
0x25: {  	[sflag:s12] =	ssyncadd.s32 $0xFFFFD800;
	s21 =	smov.u32 s19;
	s22 =	sadd.s32 $0xA, s19  }
0x26: {  	[tilespmem:s3], [sflag:$0x2] =	stream.linear.gather [hbm4b:s20+s3], $0x50, $0x38;
	[tilespmem:$0x16500] =	vst v63  }
0x27: {  	p0 =	sne.s32 s19, $0x4D8;
	_ =	swait.ge [sflag:s12], $0x50  }
0x28: {  	[sflag:s12] =	ssyncset.done $0x0  }
0x29: {  	s19 =	sadd.s32 s18, s9;
	s18 =	smov.u32 s21;
	[sflag:s12] =	ssyncadd.s32 $0xFFFFFFB0  }
0x2a: {  	[tilespmem:s13], [sflag:$0x2] =	stream.linear.gather [hbm4b:s19+s3], $0x50, $0x38;
	[tilespmem:$0x16500] =	vst v63  }
0x2b: {  	_ =	swait.ge [sflag:s12], $0x50  }
0x2c: {  	[sflag:s12] =	ssyncset.done $0x0  }
0x2d: {  	[sflag:s12] =	ssyncadd.s32 $0xFFFFFFB0  }
0x2e: {  	[tilespmem:s15], [sflag:$0x1] =	stream.indirect.gather [hbm4b:s4+s14], $0x80, s3, s14, $0xb8;
	[tilespmem:$0x16500] =	vst v63  }
0x2f: {  	_ =	swait.ge [sflag:s16], $0x2800  }
.Ltmp0:
0x30: {  	[sflag:s16] =	ssyncset.done $0x0;
	(pc) =	sbr.rel @p0 .LBB2_2-.Ltmp0, $4  }
0x31: {  	[sflag:s16] =	ssyncadd.s32 $0xFFFFD800  }
0x32: {  	[spmem:s2] =	stream.indirect.scatter.add.f32 [tilespmem:s15], [sflag:$0x2], $0x80, s13, s14, $0xb8;
	[tilespmem:$0x16500] =	vst v63  }
0x33: {  	_ =	swait.ge [sflag:s12], $0x2800  }
0x34: {  	s19 =	smov.u32 s22;
	[sflag:s12] =	ssyncset.done $0x0  }
0x35: {  	s19 =	sadd.s32 s18, s10;
	[sflag:s12] =	ssyncadd.s32 $0xFFFFD800  }
0x36: {  	[tilespmem:s3], [sflag:$0x2] =	stream.linear.gather [hbm4b:s19+s3], $0x50, $0x38;
	[tilespmem:$0x16500] =	vst v63  }
0x37: {  	_ =	swait.ge [sflag:s12], $0x50  }
0x38: {  	[sflag:s12] =	ssyncset.done $0x0  }
0x39: {  	s31 =	sadd.s32 s18, s9;
	[sflag:s12] =	ssyncadd.s32 $0xFFFFFFB0  }
0x3a: {  	[tilespmem:s13], [sflag:$0x2] =	stream.linear.gather [hbm4b:s31+s3], $0x50, $0x38;
	[tilespmem:$0x16500] =	vst v63  }
0x3b: {  	_ =	swait.ge [sflag:s12], $0x50  }
0x3c: {  	[sflag:s12] =	ssyncset.done $0x0  }
0x3d: {  	[sflag:s12] =	ssyncadd.s32 $0xFFFFFFB0  }
0x3e: {  	[tilespmem:s15], [sflag:$0x1] =	stream.indirect.gather [hbm4b:s4+s14], $0x80, s3, s14, $0xb8;
	[tilespmem:$0x16500] =	vst v63  }
0x3f: {  	_ =	swait.ge [sflag:s16], $0x2800  }
0x40: {  	[sflag:s16] =	ssyncset.done $0x0  }
0x41: {  	[sflag:s16] =	ssyncadd.s32 $0xFFFFD800  }
0x42: {  	[spmem:s2] =	stream.indirect.scatter.add.f32 [tilespmem:s15], [sflag:$0x2], $0x80, s13, s14, $0xb8;
	[tilespmem:$0x16500] =	vst v63  }
0x43: {  	_ =	swait.ge [sflag:s12], $0x2800  }
0x44: {  	s17 =	sadd.s32 $0x1, s17;
	[sflag:s12] =	ssyncset.done $0x0  }
0x45: {  	p0 =	sne.s32 s17, s8;
	[sflag:s12] =	ssyncadd.s32 $0xFFFFD800  }
.Ltmp1:
0x46: {  	[bflag:$0x0] =	sbarrier.arrive $0xFFFF;
	(pc) =	sbr.rel @p0 .LBB2_1-.Ltmp1, $4  }
0x47: {  	[hbm:s7], [sflag:s6] =	dma.local [spmem:s11], $0x2780  }
0x48: {  	_ =	swait.ge [sflag:s12], $0x2780  }
0x49: {  	[sflag:s12] =	ssyncset.done $0x0  }
0x4a: {  	[sflag:s12] =	ssyncadd.s32 $0xFFFFD880  }
0x4b: {  	_ =	sfence.sel $0x180000  }
0x4c: {  	[bflag:$0x0] =	sbarrier.arrive $0xFFFF  }
0x4d: {  	p0 =	sne.s32 s0, $0x0;
	_ =	strace $0x9000004A  }
0x4e: {  	s0 =	sadd.s32 @!p0 $0x100000, s1;
	[bflag:$0x2] =	sbarrier.arrive $0xFFFF  }
0x4f: {  	[sflag:s0] =	ssyncadd.tile.s32 @!p0 $0x1;
	_ =	shalt  }
.Lfunc_end2:
_tile_overlayer_lowered:
.L_overlay_start_2:
0x50: {  	(tag) =	ssettag $0x2  }
0x51: {  	s0 =	rddreg [dreg:$0x0];
	s2 =	stileid.u32  }
0x52: {  	s1 =	rddreg [dreg:$0x1];
	p0 =	sne.s32 s2, $0x0  }
0x53: {  	s3 =	rddreg [dreg:$0x2];
	[bflag:$0x3] =	sbarrier.arrive $0xFFFF;
	s2 =	simm.s32 @!p0 $0x1C02  }
0x54: {  	[timem:s3], [sflag:s2] =	dma.local @!p0 [hbm:s0], s1  }
0x55: {  	s0 =	simm.s32 @!p0 $0x2  }
0x56: {  	_ =	swait.ge @!p0 [sflag:s0], s1  }
0x57: {  	s1 =	ssub.s32 @!p0 $0x0, s1;
	[sflag:s0] =	ssyncset.done @!p0 $0x0  }
0x58: {  	[sflag:s0] =	ssyncadd.s32 @!p0 s1  }
0x59: {  	[bflag:$0x3] =	sbarrier.arrive $0xFFFF  }
0x5a: {  	_ =	shalt  }

// kernel: kernel.16.cloned.1.call-start
scs
__scs_entry_jumppad:
0x0: {  	(pc) =	sbr.rel $0x88, $3  }
0x1: {  	(tag) =	ssettag $0x0;
	lr =	simm.s32 $0x1  }
0x2: {  	[smem:$0x3F99] =	sst lr;
	_ =	strace $0xD0000000  }
0x3: {  	_ = 	snop  }
0x4: {  	_ = 	snop  }
0x5: {  	_ = 	snop  }
0x6: {  	_ = 	snop  }
0x7: {  	_ = 	snop  }
__scs_overlays_trampoline_lowered:
0x8: {  	[smem:$0x3FA8] =	sst s0  }
0x9: {  	[smem:$0x3FA9] =	sst s1  }
0xa: {  	[smem:$0x3FAA] =	sst s2  }
0xb: {  	[smem:$0x3FAB] =	sst s3  }
0xc: {  	[smem:$0x3FAC] =	sst s4  }
0xd: {  	[smem:$0x3FAD] =	sst s5  }
0xe: {  	[smem:$0x3FAE] =	sst s6  }
0xf: {  	[smem:$0x3FAF] =	sst s7  }
0x10: {  	[smem:$0x3FB0] =	sst s8  }
0x11: {  	[smem:$0x3FB1] =	sst s9;
	s0 =	simm.s32 @!p0 $0x0  }
0x12: {  	s1 =	sld [smem:$0x3F97];
	s0 =	simm.s32 @p0 $0x1  }
0x13: {  	[smem:$0x3FB2] =	sst s0;
	s0 =	simm.s32 @!p1 $0x0  }
0x14: {  	s2 =	sld [smem:$0x3F96];
	s0 =	simm.s32 @p1 $0x1  }
0x15: {  	[smem:$0x3FB3] =	sst s0;
	s0 =	simm.s32 @!p2 $0x0  }
0x16: {  	s3 =	sld [smem:$0x3FDB];
	s0 =	simm.s32 @p2 $0x1  }
0x17: {  	s4 =	simm.s32 $0x1BF5;
	[smem:$0x3FB5] =	sst s0  }
0x18: {  	s0 =	sld [smem:$0x3F98];
	_ =	swait.ge [sflag:s4], $0x0  }
0x19: {  	s7 =	sld [smem:$0x3F99]  }
0x1a: {  	s8 =	sadd.s32 $0xFFFFE003, lr  }
0x1b: {  	s9 =	sadd.s32 $0xFFFFFEF7, lr;
	s5 =	simm.s32 $0xFFFFFFFF;
	p2 =	slt.u32 s8, $0xFFFFF086  }
0x1c: {  	p1 =	slt.u32 s9, $0xF7A;
	s5 =	simm.s32 @!p2 $0x0  }
0x1d: {  	s5 =	simm.s32 @p1 $0x1;
	p0 =	seq.s32 s7, s2  }
0x1e: {  	s7 =	smul.u32 @!p0 $0xF7A, s2;
	p2 =	seq.s32 @!p0 s5, $0x0  }
0x1f: {  	s9 =	smul.u32 $0xF7A, s1;
	s8 =	simm.s32 @!p0 $0x1BF5;
	p2 =	por !p2, p0  }
0x20: {  	[sflag:s8] =	ssyncset.s32 @!p0 $0xFFFFF086;
	s6 =	sadd.s32 @!p0 s3, s7;
	s7 =	simm.s32 @!p0 $0x108  }
0x21: {  	s3 =	sadd.s32 s3, s9;
	s6 =	sadd.s32 @!p0 $0x88, s6;
	s7 =	simm.s32 @p2 $0x1082  }
0x22: {  	[simem:s7], [sflag:s8] =	dma.local @!p0 [hbm:s6], $0xF7A  }
0x23: {  	s9 =	sor.u32 $0xD0000000, s2;
	s6 =	simm.s32 $0x108;
	_ =	swait.ge @!p0 [sflag:s8], $0x0  }
0x24: {  	s3 =	sadd.s32 $0x88, s3;
	s6 =	simm.s32 @!p1 $0x1082;
	[sflag:s4] =	ssyncset.s32 $0xFFFFF086  }
0x25: {  	[simem:s6], [sflag:s4] =	dma.local [hbm:s3], $0xF7A  }
0x26: {  	[smem:$0x3F99] =	sst s1;
	(tag) =	ssettag s2;
	_ =	strace s9  }
0x27: {  	s1 =	sld [smem:$0x3FA9]  }
0x28: {  	s2 =	sld [smem:$0x3FAA]  }
0x29: {  	s4 =	sld [smem:$0x3FAC]  }
0x2a: {  	p0 =	seq.s32 s5, $0x0;
	s5 =	sld [smem:$0x3FAD]  }
0x2b: {  	s6 =	sld [smem:$0x3FAE]  }
0x2c: {  	s7 =	sld [smem:$0x3FAF]  }
0x2d: {  	s3 =	simm.s32 $0x108;
	s8 =	sld [smem:$0x3FB0]  }
0x2e: {  	s3 =	simm.s32 @!p0 $0x1082;
	s9 =	sld [smem:$0x3FB1]  }
0x2f: {  	lr =	sadd.s32 s0, s3;
	s0 =	sld [smem:$0x3FA8]  }
0x30: {  	s3 =	sld [smem:$0x3FAB]  }
0x31: {  	[smem:$0x3FB4] =	sst s10  }
0x32: {  	s10 =	sld [smem:$0x3FB2];
	_ =	sdelay $0x3  }
0x33: {  	p0 =	seq.s32 s10, $0x1;
	s10 =	sld [smem:$0x3FB4];
	_ =	sdelay $0x3  }
0x34: {  	[smem:$0x3FB4] =	sst s10  }
0x35: {  	s10 =	sld [smem:$0x3FB3];
	_ =	sdelay $0x3  }
0x36: {  	p1 =	seq.s32 s10, $0x1;
	s10 =	sld [smem:$0x3FB4];
	_ =	sdelay $0x3  }
0x37: {  	[smem:$0x3FB4] =	sst s10  }
0x38: {  	s10 =	sld [smem:$0x3FB5]  }
0x39: {  	_ = 	snop;
	(pc) =	sbr.ind lr, $3  }
0x3a: {  	_ = 	snop  }
0x3b: {  	_ = 	snop  }
0x3c: {  	p2 =	seq.s32 s10, $0x1;
	s10 =	sld [smem:$0x3FB4]  }
0x3d: {  	_ =	shalt  }
0x3e: {  	_ =	shalt  }
0x3f: {  	_ =	shalt  }
0x40: {  	_ =	shalt  }
0x41: {  	_ =	shalt  }
0x42: {  	_ =	shalt  }
0x43: {  	_ =	shalt  }
0x44: {  	_ =	shalt  }
0x45: {  	_ =	shalt  }
0x46: {  	_ =	shalt  }
0x47: {  	_ =	shalt  }
0x48: {  	_ =	shalt  }
0x49: {  	_ =	shalt  }
0x4a: {  	_ =	shalt  }
0x4b: {  	_ =	shalt  }
0x4c: {  	_ =	shalt  }
0x4d: {  	_ =	shalt  }
0x4e: {  	_ =	shalt  }
0x4f: {  	_ =	shalt  }
0x50: {  	_ =	shalt  }
0x51: {  	_ =	shalt  }
0x52: {  	_ =	shalt  }
0x53: {  	_ =	shalt  }
0x54: {  	_ =	shalt  }
0x55: {  	_ =	shalt  }
0x56: {  	_ =	shalt  }
0x57: {  	_ =	shalt  }
0x58: {  	_ =	shalt  }
0x59: {  	_ =	shalt  }
0x5a: {  	_ =	shalt  }
0x5b: {  	_ =	shalt  }
0x5c: {  	_ =	shalt  }
0x5d: {  	_ =	shalt  }
0x5e: {  	_ =	shalt  }
0x5f: {  	_ =	shalt  }
0x60: {  	_ =	shalt  }
0x61: {  	_ =	shalt  }
0x62: {  	_ =	shalt  }
0x63: {  	_ =	shalt  }
0x64: {  	_ =	shalt  }
0x65: {  	_ =	shalt  }
0x66: {  	_ =	shalt  }
0x67: {  	_ =	shalt  }
0x68: {  	_ =	shalt  }
0x69: {  	_ =	shalt  }
0x6a: {  	_ =	shalt  }
0x6b: {  	_ =	shalt  }
0x6c: {  	_ =	shalt  }
0x6d: {  	_ =	shalt  }
0x6e: {  	_ =	shalt  }
0x6f: {  	_ =	shalt  }
0x70: {  	_ =	shalt  }
0x71: {  	_ =	shalt  }
0x72: {  	_ =	shalt  }
0x73: {  	_ =	shalt  }
0x74: {  	_ =	shalt  }
0x75: {  	_ =	shalt  }
0x76: {  	_ =	shalt  }
0x77: {  	_ =	shalt  }
0x78: {  	_ =	shalt  }
0x79: {  	_ =	shalt  }
0x7a: {  	_ =	shalt  }
0x7b: {  	_ =	shalt  }
0x7c: {  	_ =	shalt  }
0x7d: {  	_ =	shalt  }
0x7e: {  	_ =	shalt  }
0x7f: {  	_ =	shalt  }
0x80: {  	_ =	shalt  }
0x81: {  	_ =	shalt  }
0x82: {  	_ =	shalt  }
0x83: {  	_ =	shalt  }
0x84: {  	_ =	shalt  }
0x85: {  	_ =	shalt  }
0x86: {  	_ =	shalt  }
0x87: {  	_ =	shalt  }
.Lfunc_end0:
.L_simem_size_0:
called_computation.2_lowered:
.L_overlay_start_0:
0x88: {  	s2 =	sld [smem:$0x3FD9]  }
0x89: {  	s3 =	sld [smem:$0x3FFE];
	_ =	sdelay $0x1  }
0x8a: {  	s1 =	srdreg.scid  }
0x8b: {  	s0 =	sand.u32 $0x1, s1  }
0x8c: {  	s17 =	sshll.u32 s0, $0xA;
	s2 =	sadd.s32 s3, s2  }
0x8d: {  	s2 =	sadd.s32 s2, s17  }
0x8e: {  	[smem:$0x3FC0] =	sst s2  }
0x8f: {  	_ = 	snop  }
0x90: {  	s2 =	sld [smem:$0x3FD0];
	(tm) =	ssettm $0x1  }
0x91: {  	s18 =	sld [smem:$0x3FFB];
	_ =	sdelay $0x3  }
0x92: {  	_ =	strace s18  }
0x93: {  	s3 =	sld [smem:$0x3FFC];
	_ =	sdelay $0x3  }
0x94: {  	_ =	strace s3  }
0x95: {  	s3 =	sld [smem:$0x3FFD];
	_ =	sdelay $0x3  }
0x96: {  	_ =	strace s3  }
0x97: {  	_ =	strace $0x8FFFFFFF  }
0x98: {  	s19 =	sld [smem:$0x3FDB];
	_ =	sdelay $0x1  }
0x99: {  	s4 =	simm.s32 $_scs_section_size  }
0x9a: {  	s5 =	simm.s32 $_size__tile_overlayer_lowered;
	s6 =	simm.s32 $_tile_overlayer_lowered  }
0x9b: {  	s22 =	simm.s32 $0x1BFF;
	s21 =	sshll.u32 s6, $0x1;
	s3 =	sadd.s32 s4, s19  }
0x9c: {  	s7 =	simm.s32 $0x0;
	s20 =	sshll.u32 s5, $0x1;
	s5 =	sadd.s32 s21, s3  }
0x9d: {  	[timem:s7], [sflag:s22] =	dma.local [hbm:s5], s20  }
0x9e: {  	_ =	swait.ge [sflag:s22], s20  }
0x9f: {  	s4 =	ssub.s32 $0x0, s20;
	[sflag:s22] =	ssyncset.done $0x0  }
0xa0: {  	[sflag:s22] =	ssyncadd.s32 s4;
	_ =	sdelay $0x1  }
0xa1: {  	s23 =	simm.s32 $0x1B8B  }
0xa2: {  	_ =	swait.ge [sflag:s23], $0x1  }
0xa3: {  	[sflag:s23] =	ssyncset.done $0x0  }
0xa4: {  	s25 =	simm.s32 $0x1B8E;
	s24 =	sld [smem:$0x3FFE];
	[sflag:s23] =	ssyncadd.s32 $0xFFFFFFFF  }
0xa5: {  	s26 =	simm.s32 $execute0_lowered;
	[smem:$0x3FD2] =	sst s25  }
0xa6: {  	s5 =	sshll.u32 s26, $0x1;
	_ =	strace $0x8000004C;
	[dreg:$0x1] =	wrdreg $0xFFFFFFFF  }
0xa7: {  	s28 =	simm.s32 $_size_execute0_lowered;
	s3 =	sadd.s32 s3, s5;
	[dreg:$0x0] =	wrdreg $0x0  }
0xa8: {  	s5 =	sshll.u32 s28, $0x1;
	[dreg:$0x2] =	wrdreg s3  }
0xa9: {  	[dreg:$0x3] =	wrdreg s5  }
0xaa: {  	[dreg:$0x4] =	wrdreg $0xC0  }
0xab: {  	_ =	task [dreg:s7], $0x5FFFF  }
0xac: {  	[dreg:$0x1] =	wrdreg $0xFFFFFFFF  }
0xad: {  	[dreg:$0x0] =	wrdreg $0x60  }
0xae: {  	[dreg:$0x2] =	wrdreg s24  }
0xaf: {  	[dreg:$0x3] =	wrdreg s2  }
0xb0: {  	[dreg:$0x4] =	wrdreg $0x29000  }
0xb1: {  	[dreg:$0x5] =	wrdreg $0x9  }
0xb2: {  	_ =	task.clear_ibuf [dreg:s7], $0x6FFFF;
	_ =	strace $0x9000004C  }
0xb3: {  	s29 =	simm.s32 $0x9;
	_ =	strace $0x8000004E  }
0xb4: {  	_ =	swait.ge [sflag:s29], $0x1  }
0xb5: {  	[sflag:s29] =	ssyncadd.s32 $0xFFFFFFFF  }
0xb6: {  	_ =	strace $0x9000004E  }
0xb7: {  	_ =	sfence  }
0xb8: {  	s30 =	sld [smem:$0x0];
	_ =	sdelay $0x2  }
0xb9: {  	s31 =	sshll.u32 s1, $0xD;
	s1 =	sshrl.u32 s1, $0x2  }
0xba: {  	s3 =	sand.u32 $0x4000, s31;
	s1 =	sadd.s32 s1, s30  }
0xbb: {  	s0 =	sor.u32 s3, s0;
	s1 =	sshll.u32 s1, $0x11  }
0xbc: {  	s0 =	sor.u32 s1, s0  }
0xbd: {  	s0 =	sadd.s32 $0x8F2B, s0  }
0xbe: {  	[sflag:s0] =	ssyncadd.remote.s32 $0x1  }
0xbf: {  	_ =	sfence.sel $0xFFFF  }
0xc0: {  	[dreg:$0x0] =	wrdreg $0xFFFFFFFF;
	(pc) =	sbr.abs _section_cstart, $3  }
0xc1: {  	[dreg:$0x1] =	wrdreg $0xFFFFFFFF  }
0xc2: {  	_ =	task.clear_ibuf [dreg:s7], $0x2FFFF;
	_ =	strace $0x9FFFFFFF  }
0xc3: {  	(tm) =	ssettm $0x7FFFFFFF  }
tec
execute0_lowered:
.L_overlay_start_1:
0x0: {  	(tag) =	ssettag $0x1  }
0x1: {  	s6 =	rddreg [dreg:$0x0]  }
0x2: {  	s1 =	srdreg.scid;
	s9 =	rddreg [dreg:$0x1]  }
0x3: {  	s0 =	stileid.u32;
	s2 =	rddreg [dreg:$0x2]  }
0x4: {  	s3 =	simm.s32 $0x0;
	s15 =	simm.s32 $0x100;
	s4 =	smul.u32 $0x4E20, s0  }
0x5: {  	s16 =	simm.s32 $0x1;
	s17 =	simm.s32 $0x0;
	s10 =	smul.u32 $0x13C00, s0  }
0x6: {  	s7 =	sand.u32 $0x1, s1;
	s1 =	rddreg [dreg:$0x3];
	s29 =	smul.u32 $0x4F000, s0  }
0x7: {  	[smem:$0x7FF] =	sst s3;
	s31 =	sshll.u32 s0, $0x6;
	s5 =	smul.u32 $0x2710, s7  }
0x8: {  	s8 =	smul.u32 $0x13C000, s7;
	_ =	strace $0x8000004D;
	s7 =	ssub.s32 $0x2, s7  }
0x9: {  	s30 =	sshrl.u32 s7, $0x1;
	s5 =	sadd.s32 s5, s4;
	s4 =	sadd.s32 $0xF400, s6  }
0xa: {  	s8 =	sadd.s32 s10, s8;
	s10 =	sshrl.u32 s29, $0x2;
	s13 =	ssub.s32 s7, s30  }
0xb: {  	s11 =	sshrl.u32 s5, $0x3;
	s5 =	sadd.s32 $0xCC00, s6;
	s8 =	sshrl.u32 s8, $0x3  }
0xc: {  	s14 =	sadd.s32 s10, s2;
	s12 =	sadd.s32 s11, s6;
	s8 =	sadd.s32 s8, s6  }
0xd: {  	s6 =	sor.u32 $0x1C02, s31;
	s9 =	sadd.s32 s11, s9;
	s11 =	sshrl.u32 s14, $0x3  }
0xe: {  	s14 =	simm.s32 $0x50;
	s7 =	sadd.s32 $0x5D800, s8;
	s8 =	smax.u32 s13, $0x1  }
0xf: {  	s10 =	sadd.s32 $0x2E00, s12;
	s12 =	simm.s32 $0x2;
	s13 =	simm.s32 $0x80  }
.LBB2_1:
0x10: {  	[spmem:s11], [sflag:s6] =	dma.local [hbm:s5], $0x2780  }
0x11: {  	_ =	swait.ge [sflag:s12], $0x2780  }
0x12: {  	[sflag:s12] =	ssyncset.done $0x0  }
0x13: {  	[sflag:s12] =	ssyncadd.s32 $0xFFFFD880  }
0x14: {  	s18 =	sadd.s32 $0x0, s10;
	[bflag:$0x0] =	sbarrier.arrive $0xFFFF  }
0x15: {  	[tilespmem:s3], [sflag:$0x2] =	stream.linear.gather [hbm4b:s18+s3], $0x50, $0x38;
	[tilespmem:$0x16500] =	vst v63  }
0x16: {  	_ =	swait.ge [sflag:s12], $0x50  }
0x17: {  	[sflag:s12] =	ssyncset.done $0x0  }
0x18: {  	s31 =	sadd.s32 $0x0, s9;
	[sflag:s12] =	ssyncadd.s32 $0xFFFFFFB0  }
0x19: {  	[tilespmem:s13], [sflag:$0x2] =	stream.linear.gather [hbm4b:s31+s3], $0x50, $0x38;
	[tilespmem:$0x16500] =	vst v63  }
0x1a: {  	_ =	swait.ge [sflag:s12], $0x50  }
0x1b: {  	[sflag:s12] =	ssyncset.done $0x0  }
0x1c: {  	[sflag:s12] =	ssyncadd.s32 $0xFFFFFFB0  }
0x1d: {  	[tilespmem:s15], [sflag:$0x1] =	stream.indirect.gather [hbm4b:s4+s14], $0x80, s3, s14, $0xb8;
	[tilespmem:$0x16500] =	vst v63  }
0x1e: {  	_ =	swait.ge [sflag:s16], $0x2800  }
0x1f: {  	[sflag:s16] =	ssyncset.done $0x0  }
0x20: {  	[sflag:s16] =	ssyncadd.s32 $0xFFFFD800  }
0x21: {  	[spmem:s2] =	stream.indirect.scatter.add.f32 [tilespmem:s15], [sflag:$0x2], $0x80, s13, s14, $0xb8;
	[tilespmem:$0x16500] =	vst v63  }
0x22: {  	_ =	swait.ge [sflag:s12], $0x2800  }
0x23: {  	s19 =	simm.s32 $0x14;
	s18 =	simm.s32 $0xA;
	[sflag:s12] =	ssyncset.done $0x0  }
.LBB2_2:
0x24: {  	s20 =	sadd.s32 s18, s10  }
0x25: {  	[sflag:s12] =	ssyncadd.s32 $0xFFFFD800;
	s21 =	smov.u32 s19;
	s22 =	sadd.s32 $0xA, s19  }
0x26: {  	[tilespmem:s3], [sflag:$0x2] =	stream.linear.gather [hbm4b:s20+s3], $0x50, $0x38;
	[tilespmem:$0x16500] =	vst v63  }
0x27: {  	p0 =	sne.s32 s19, $0x4D8;
	_ =	swait.ge [sflag:s12], $0x50  }
0x28: {  	[sflag:s12] =	ssyncset.done $0x0  }
0x29: {  	s19 =	sadd.s32 s18, s9;
	s18 =	smov.u32 s21;
	[sflag:s12] =	ssyncadd.s32 $0xFFFFFFB0  }
0x2a: {  	[tilespmem:s13], [sflag:$0x2] =	stream.linear.gather [hbm4b:s19+s3], $0x50, $0x38;
	[tilespmem:$0x16500] =	vst v63  }
0x2b: {  	_ =	swait.ge [sflag:s12], $0x50  }
0x2c: {  	[sflag:s12] =	ssyncset.done $0x0  }
0x2d: {  	[sflag:s12] =	ssyncadd.s32 $0xFFFFFFB0  }
0x2e: {  	[tilespmem:s15], [sflag:$0x1] =	stream.indirect.gather [hbm4b:s4+s14], $0x80, s3, s14, $0xb8;
	[tilespmem:$0x16500] =	vst v63  }
0x2f: {  	_ =	swait.ge [sflag:s16], $0x2800  }
.Ltmp0:
0x30: {  	[sflag:s16] =	ssyncset.done $0x0;
	(pc) =	sbr.rel @p0 .LBB2_2-.Ltmp0, $4  }
0x31: {  	[sflag:s16] =	ssyncadd.s32 $0xFFFFD800  }
0x32: {  	[spmem:s2] =	stream.indirect.scatter.add.f32 [tilespmem:s15], [sflag:$0x2], $0x80, s13, s14, $0xb8;
	[tilespmem:$0x16500] =	vst v63  }
0x33: {  	_ =	swait.ge [sflag:s12], $0x2800  }
0x34: {  	s19 =	smov.u32 s22;
	[sflag:s12] =	ssyncset.done $0x0  }
0x35: {  	s19 =	sadd.s32 s18, s10;
	[sflag:s12] =	ssyncadd.s32 $0xFFFFD800  }
0x36: {  	[tilespmem:s3], [sflag:$0x2] =	stream.linear.gather [hbm4b:s19+s3], $0x50, $0x38;
	[tilespmem:$0x16500] =	vst v63  }
0x37: {  	_ =	swait.ge [sflag:s12], $0x50  }
0x38: {  	[sflag:s12] =	ssyncset.done $0x0  }
0x39: {  	s31 =	sadd.s32 s18, s9;
	[sflag:s12] =	ssyncadd.s32 $0xFFFFFFB0  }
0x3a: {  	[tilespmem:s13], [sflag:$0x2] =	stream.linear.gather [hbm4b:s31+s3], $0x50, $0x38;
	[tilespmem:$0x16500] =	vst v63  }
0x3b: {  	_ =	swait.ge [sflag:s12], $0x50  }
0x3c: {  	[sflag:s12] =	ssyncset.done $0x0  }
0x3d: {  	[sflag:s12] =	ssyncadd.s32 $0xFFFFFFB0  }
0x3e: {  	[tilespmem:s15], [sflag:$0x1] =	stream.indirect.gather [hbm4b:s4+s14], $0x80, s3, s14, $0xb8;
	[tilespmem:$0x16500] =	vst v63  }
0x3f: {  	_ =	swait.ge [sflag:s16], $0x2800  }
0x40: {  	[sflag:s16] =	ssyncset.done $0x0  }
0x41: {  	[sflag:s16] =	ssyncadd.s32 $0xFFFFD800  }
0x42: {  	[spmem:s2] =	stream.indirect.scatter.add.f32 [tilespmem:s15], [sflag:$0x2], $0x80, s13, s14, $0xb8;
	[tilespmem:$0x16500] =	vst v63  }
0x43: {  	_ =	swait.ge [sflag:s12], $0x2800  }
0x44: {  	s17 =	sadd.s32 $0x1, s17;
	[sflag:s12] =	ssyncset.done $0x0  }
0x45: {  	p0 =	sne.s32 s17, s8;
	[sflag:s12] =	ssyncadd.s32 $0xFFFFD800  }
.Ltmp1:
0x46: {  	[bflag:$0x0] =	sbarrier.arrive $0xFFFF;
	(pc) =	sbr.rel @p0 .LBB2_1-.Ltmp1, $4  }
0x47: {  	[hbm:s7], [sflag:s6] =	dma.local [spmem:s11], $0x2780  }
0x48: {  	_ =	swait.ge [sflag:s12], $0x2780  }
0x49: {  	[sflag:s12] =	ssyncset.done $0x0  }
0x4a: {  	[sflag:s12] =	ssyncadd.s32 $0xFFFFD880  }
0x4b: {  	_ =	sfence.sel $0x180000  }
0x4c: {  	[bflag:$0x0] =	sbarrier.arrive $0xFFFF  }
0x4d: {  	p0 =	sne.s32 s0, $0x0;
	_ =	strace $0x9000004D  }
0x4e: {  	s0 =	sadd.s32 @!p0 $0x100000, s1;
	[bflag:$0x2] =	sbarrier.arrive $0xFFFF  }
0x4f: {  	[sflag:s0] =	ssyncadd.tile.s32 @!p0 $0x1;
	_ =	shalt  }
.Lfunc_end2:
_tile_overlayer_lowered:
.L_overlay_start_2:
0x50: {  	(tag) =	ssettag $0x2  }
0x51: {  	s0 =	rddreg [dreg:$0x0];
	s2 =	stileid.u32  }
0x52: {  	s1 =	rddreg [dreg:$0x1];
	p0 =	sne.s32 s2, $0x0  }
0x53: {  	s3 =	rddreg [dreg:$0x2];
	[bflag:$0x3] =	sbarrier.arrive $0xFFFF;
	s2 =	simm.s32 @!p0 $0x1C02  }
0x54: {  	[timem:s3], [sflag:s2] =	dma.local @!p0 [hbm:s0], s1  }
0x55: {  	s0 =	simm.s32 @!p0 $0x2  }
0x56: {  	_ =	swait.ge @!p0 [sflag:s0], s1  }
0x57: {  	s1 =	ssub.s32 @!p0 $0x0, s1;
	[sflag:s0] =	ssyncset.done @!p0 $0x0  }
0x58: {  	[sflag:s0] =	ssyncadd.s32 @!p0 s1  }
0x59: {  	[bflag:$0x3] =	sbarrier.arrive $0xFFFF  }
0x5a: {  	_ =	shalt  }

// kernel: kernel.19.cloned.1.call-start
scs
__scs_entry_jumppad:
0x0: {  	(pc) =	sbr.rel $0x88, $3  }
0x1: {  	(tag) =	ssettag $0x0;
	lr =	simm.s32 $0x1  }
0x2: {  	[smem:$0x3F99] =	sst lr;
	_ =	strace $0xD0000000  }
0x3: {  	_ = 	snop  }
0x4: {  	_ = 	snop  }
0x5: {  	_ = 	snop  }
0x6: {  	_ = 	snop  }
0x7: {  	_ = 	snop  }
__scs_overlays_trampoline_lowered:
0x8: {  	[smem:$0x3FA8] =	sst s0  }
0x9: {  	[smem:$0x3FA9] =	sst s1  }
0xa: {  	[smem:$0x3FAA] =	sst s2  }
0xb: {  	[smem:$0x3FAB] =	sst s3  }
0xc: {  	[smem:$0x3FAC] =	sst s4  }
0xd: {  	[smem:$0x3FAD] =	sst s5  }
0xe: {  	[smem:$0x3FAE] =	sst s6  }
0xf: {  	[smem:$0x3FAF] =	sst s7  }
0x10: {  	[smem:$0x3FB0] =	sst s8  }
0x11: {  	[smem:$0x3FB1] =	sst s9;
	s0 =	simm.s32 @!p0 $0x0  }
0x12: {  	s1 =	sld [smem:$0x3F97];
	s0 =	simm.s32 @p0 $0x1  }
0x13: {  	[smem:$0x3FB2] =	sst s0;
	s0 =	simm.s32 @!p1 $0x0  }
0x14: {  	s2 =	sld [smem:$0x3F96];
	s0 =	simm.s32 @p1 $0x1  }
0x15: {  	[smem:$0x3FB3] =	sst s0;
	s0 =	simm.s32 @!p2 $0x0  }
0x16: {  	s3 =	sld [smem:$0x3FDB];
	s0 =	simm.s32 @p2 $0x1  }
0x17: {  	s4 =	simm.s32 $0x1BF5;
	[smem:$0x3FB5] =	sst s0  }
0x18: {  	s0 =	sld [smem:$0x3F98];
	_ =	swait.ge [sflag:s4], $0x0  }
0x19: {  	s7 =	sld [smem:$0x3F99]  }
0x1a: {  	s8 =	sadd.s32 $0xFFFFE003, lr  }
0x1b: {  	s9 =	sadd.s32 $0xFFFFFEF7, lr;
	s5 =	simm.s32 $0xFFFFFFFF;
	p2 =	slt.u32 s8, $0xFFFFF086  }
0x1c: {  	p1 =	slt.u32 s9, $0xF7A;
	s5 =	simm.s32 @!p2 $0x0  }
0x1d: {  	s5 =	simm.s32 @p1 $0x1;
	p0 =	seq.s32 s7, s2  }
0x1e: {  	s7 =	smul.u32 @!p0 $0xF7A, s2;
	p2 =	seq.s32 @!p0 s5, $0x0  }
0x1f: {  	s9 =	smul.u32 $0xF7A, s1;
	s8 =	simm.s32 @!p0 $0x1BF5;
	p2 =	por !p2, p0  }
0x20: {  	[sflag:s8] =	ssyncset.s32 @!p0 $0xFFFFF086;
	s6 =	sadd.s32 @!p0 s3, s7;
	s7 =	simm.s32 @!p0 $0x108  }
0x21: {  	s3 =	sadd.s32 s3, s9;
	s6 =	sadd.s32 @!p0 $0x88, s6;
	s7 =	simm.s32 @p2 $0x1082  }
0x22: {  	[simem:s7], [sflag:s8] =	dma.local @!p0 [hbm:s6], $0xF7A  }
0x23: {  	s9 =	sor.u32 $0xD0000000, s2;
	s6 =	simm.s32 $0x108;
	_ =	swait.ge @!p0 [sflag:s8], $0x0  }
0x24: {  	s3 =	sadd.s32 $0x88, s3;
	s6 =	simm.s32 @!p1 $0x1082;
	[sflag:s4] =	ssyncset.s32 $0xFFFFF086  }
0x25: {  	[simem:s6], [sflag:s4] =	dma.local [hbm:s3], $0xF7A  }
0x26: {  	[smem:$0x3F99] =	sst s1;
	(tag) =	ssettag s2;
	_ =	strace s9  }
0x27: {  	s1 =	sld [smem:$0x3FA9]  }
0x28: {  	s2 =	sld [smem:$0x3FAA]  }
0x29: {  	s4 =	sld [smem:$0x3FAC]  }
0x2a: {  	p0 =	seq.s32 s5, $0x0;
	s5 =	sld [smem:$0x3FAD]  }
0x2b: {  	s6 =	sld [smem:$0x3FAE]  }
0x2c: {  	s7 =	sld [smem:$0x3FAF]  }
0x2d: {  	s3 =	simm.s32 $0x108;
	s8 =	sld [smem:$0x3FB0]  }
0x2e: {  	s3 =	simm.s32 @!p0 $0x1082;
	s9 =	sld [smem:$0x3FB1]  }
0x2f: {  	lr =	sadd.s32 s0, s3;
	s0 =	sld [smem:$0x3FA8]  }
0x30: {  	s3 =	sld [smem:$0x3FAB]  }
0x31: {  	[smem:$0x3FB4] =	sst s10  }
0x32: {  	s10 =	sld [smem:$0x3FB2];
	_ =	sdelay $0x3  }
0x33: {  	p0 =	seq.s32 s10, $0x1;
	s10 =	sld [smem:$0x3FB4];
	_ =	sdelay $0x3  }
0x34: {  	[smem:$0x3FB4] =	sst s10  }
0x35: {  	s10 =	sld [smem:$0x3FB3];
	_ =	sdelay $0x3  }
0x36: {  	p1 =	seq.s32 s10, $0x1;
	s10 =	sld [smem:$0x3FB4];
	_ =	sdelay $0x3  }
0x37: {  	[smem:$0x3FB4] =	sst s10  }
0x38: {  	s10 =	sld [smem:$0x3FB5]  }
0x39: {  	_ = 	snop;
	(pc) =	sbr.ind lr, $3  }
0x3a: {  	_ = 	snop  }
0x3b: {  	_ = 	snop  }
0x3c: {  	p2 =	seq.s32 s10, $0x1;
	s10 =	sld [smem:$0x3FB4]  }
0x3d: {  	_ =	shalt  }
0x3e: {  	_ =	shalt  }
0x3f: {  	_ =	shalt  }
0x40: {  	_ =	shalt  }
0x41: {  	_ =	shalt  }
0x42: {  	_ =	shalt  }
0x43: {  	_ =	shalt  }
0x44: {  	_ =	shalt  }
0x45: {  	_ =	shalt  }
0x46: {  	_ =	shalt  }
0x47: {  	_ =	shalt  }
0x48: {  	_ =	shalt  }
0x49: {  	_ =	shalt  }
0x4a: {  	_ =	shalt  }
0x4b: {  	_ =	shalt  }
0x4c: {  	_ =	shalt  }
0x4d: {  	_ =	shalt  }
0x4e: {  	_ =	shalt  }
0x4f: {  	_ =	shalt  }
0x50: {  	_ =	shalt  }
0x51: {  	_ =	shalt  }
0x52: {  	_ =	shalt  }
0x53: {  	_ =	shalt  }
0x54: {  	_ =	shalt  }
0x55: {  	_ =	shalt  }
0x56: {  	_ =	shalt  }
0x57: {  	_ =	shalt  }
0x58: {  	_ =	shalt  }
0x59: {  	_ =	shalt  }
0x5a: {  	_ =	shalt  }
0x5b: {  	_ =	shalt  }
0x5c: {  	_ =	shalt  }
0x5d: {  	_ =	shalt  }
0x5e: {  	_ =	shalt  }
0x5f: {  	_ =	shalt  }
0x60: {  	_ =	shalt  }
0x61: {  	_ =	shalt  }
0x62: {  	_ =	shalt  }
0x63: {  	_ =	shalt  }
0x64: {  	_ =	shalt  }
0x65: {  	_ =	shalt  }
0x66: {  	_ =	shalt  }
0x67: {  	_ =	shalt  }
0x68: {  	_ =	shalt  }
0x69: {  	_ =	shalt  }
0x6a: {  	_ =	shalt  }
0x6b: {  	_ =	shalt  }
0x6c: {  	_ =	shalt  }
0x6d: {  	_ =	shalt  }
0x6e: {  	_ =	shalt  }
0x6f: {  	_ =	shalt  }
0x70: {  	_ =	shalt  }
0x71: {  	_ =	shalt  }
0x72: {  	_ =	shalt  }
0x73: {  	_ =	shalt  }
0x74: {  	_ =	shalt  }
0x75: {  	_ =	shalt  }
0x76: {  	_ =	shalt  }
0x77: {  	_ =	shalt  }
0x78: {  	_ =	shalt  }
0x79: {  	_ =	shalt  }
0x7a: {  	_ =	shalt  }
0x7b: {  	_ =	shalt  }
0x7c: {  	_ =	shalt  }
0x7d: {  	_ =	shalt  }
0x7e: {  	_ =	shalt  }
0x7f: {  	_ =	shalt  }
0x80: {  	_ =	shalt  }
0x81: {  	_ =	shalt  }
0x82: {  	_ =	shalt  }
0x83: {  	_ =	shalt  }
0x84: {  	_ =	shalt  }
0x85: {  	_ =	shalt  }
0x86: {  	_ =	shalt  }
0x87: {  	_ =	shalt  }
.Lfunc_end0:
.L_simem_size_0:
called_computation.3_lowered:
.L_overlay_start_0:
0x88: {  	s2 =	sld [smem:$0x3FD9]  }
0x89: {  	s3 =	sld [smem:$0x3FFE];
	_ =	sdelay $0x1  }
0x8a: {  	s1 =	srdreg.scid  }
0x8b: {  	s0 =	sand.u32 $0x1, s1  }
0x8c: {  	s17 =	sshll.u32 s0, $0xA;
	s2 =	sadd.s32 s3, s2  }
0x8d: {  	s2 =	sadd.s32 s2, s17  }
0x8e: {  	[smem:$0x3FC0] =	sst s2  }
0x8f: {  	_ = 	snop  }
0x90: {  	s2 =	sld [smem:$0x3FD0];
	(tm) =	ssettm $0x1  }
0x91: {  	s18 =	sld [smem:$0x3FFB];
	_ =	sdelay $0x3  }
0x92: {  	_ =	strace s18  }
0x93: {  	s3 =	sld [smem:$0x3FFC];
	_ =	sdelay $0x3  }
0x94: {  	_ =	strace s3  }
0x95: {  	s3 =	sld [smem:$0x3FFD];
	_ =	sdelay $0x3  }
0x96: {  	_ =	strace s3  }
0x97: {  	_ =	strace $0x8FFFFFFF  }
0x98: {  	s19 =	sld [smem:$0x3FDB];
	_ =	sdelay $0x1  }
0x99: {  	s4 =	simm.s32 $_scs_section_size  }
0x9a: {  	s5 =	simm.s32 $_size__tile_overlayer_lowered;
	s6 =	simm.s32 $_tile_overlayer_lowered  }
0x9b: {  	s22 =	simm.s32 $0x1BFF;
	s21 =	sshll.u32 s6, $0x1;
	s3 =	sadd.s32 s4, s19  }
0x9c: {  	s7 =	simm.s32 $0x0;
	s20 =	sshll.u32 s5, $0x1;
	s5 =	sadd.s32 s21, s3  }
0x9d: {  	[timem:s7], [sflag:s22] =	dma.local [hbm:s5], s20  }
0x9e: {  	_ =	swait.ge [sflag:s22], s20  }
0x9f: {  	s4 =	ssub.s32 $0x0, s20;
	[sflag:s22] =	ssyncset.done $0x0  }
0xa0: {  	[sflag:s22] =	ssyncadd.s32 s4;
	_ =	sdelay $0x1  }
0xa1: {  	s23 =	simm.s32 $0x1B8B  }
0xa2: {  	_ =	swait.ge [sflag:s23], $0x1  }
0xa3: {  	[sflag:s23] =	ssyncset.done $0x0  }
0xa4: {  	s25 =	simm.s32 $0x1B8E;
	s24 =	sld [smem:$0x3FFE];
	[sflag:s23] =	ssyncadd.s32 $0xFFFFFFFF  }
0xa5: {  	s26 =	simm.s32 $execute0_lowered;
	[smem:$0x3FD2] =	sst s25  }
0xa6: {  	s5 =	sshll.u32 s26, $0x1;
	_ =	strace $0x8000004F;
	[dreg:$0x1] =	wrdreg $0xFFFFFFFF  }
0xa7: {  	s28 =	simm.s32 $_size_execute0_lowered;
	s3 =	sadd.s32 s3, s5;
	[dreg:$0x0] =	wrdreg $0x0  }
0xa8: {  	s5 =	sshll.u32 s28, $0x1;
	[dreg:$0x2] =	wrdreg s3  }
0xa9: {  	[dreg:$0x3] =	wrdreg s5  }
0xaa: {  	[dreg:$0x4] =	wrdreg $0xC0  }
0xab: {  	_ =	task [dreg:s7], $0x5FFFF  }
0xac: {  	[dreg:$0x1] =	wrdreg $0xFFFFFFFF  }
0xad: {  	[dreg:$0x0] =	wrdreg $0x60  }
0xae: {  	[dreg:$0x2] =	wrdreg s24  }
0xaf: {  	[dreg:$0x3] =	wrdreg s2  }
0xb0: {  	[dreg:$0x4] =	wrdreg $0x29000  }
0xb1: {  	[dreg:$0x5] =	wrdreg $0x9  }
0xb2: {  	_ =	task.clear_ibuf [dreg:s7], $0x6FFFF;
	_ =	strace $0x9000004F  }
0xb3: {  	s29 =	simm.s32 $0x9;
	_ =	strace $0x80000051  }
0xb4: {  	_ =	swait.ge [sflag:s29], $0x1  }
0xb5: {  	[sflag:s29] =	ssyncadd.s32 $0xFFFFFFFF  }
0xb6: {  	_ =	strace $0x90000051  }
0xb7: {  	_ =	sfence  }
0xb8: {  	s30 =	sld [smem:$0x0];
	_ =	sdelay $0x2  }
0xb9: {  	s31 =	sshll.u32 s1, $0xD;
	s1 =	sshrl.u32 s1, $0x2  }
0xba: {  	s3 =	sand.u32 $0x4000, s31;
	s1 =	sadd.s32 s1, s30  }
0xbb: {  	s0 =	sor.u32 s3, s0;
	s1 =	sshll.u32 s1, $0x11  }
0xbc: {  	s0 =	sor.u32 s1, s0  }
0xbd: {  	s0 =	sadd.s32 $0x8F2B, s0  }
0xbe: {  	[sflag:s0] =	ssyncadd.remote.s32 $0x1  }
0xbf: {  	_ =	sfence.sel $0xFFFF  }
0xc0: {  	[dreg:$0x0] =	wrdreg $0xFFFFFFFF;
	(pc) =	sbr.abs _section_cstart, $3  }
0xc1: {  	[dreg:$0x1] =	wrdreg $0xFFFFFFFF  }
0xc2: {  	_ =	task.clear_ibuf [dreg:s7], $0x2FFFF;
	_ =	strace $0x9FFFFFFF  }
0xc3: {  	(tm) =	ssettm $0x7FFFFFFF  }
tec
execute0_lowered:
.L_overlay_start_1:
0x0: {  	(tag) =	ssettag $0x1  }
0x1: {  	s6 =	rddreg [dreg:$0x0]  }
0x2: {  	s1 =	srdreg.scid;
	s9 =	rddreg [dreg:$0x1]  }
0x3: {  	s0 =	stileid.u32;
	s2 =	rddreg [dreg:$0x2]  }
0x4: {  	s3 =	simm.s32 $0x0;
	s15 =	simm.s32 $0x100;
	s4 =	smul.u32 $0x4E20, s0  }
0x5: {  	s16 =	simm.s32 $0x1;
	s17 =	simm.s32 $0x0;
	s10 =	smul.u32 $0x13C00, s0  }
0x6: {  	s7 =	sand.u32 $0x1, s1;
	s1 =	rddreg [dreg:$0x3];
	s29 =	smul.u32 $0x4F000, s0  }
0x7: {  	[smem:$0x7FF] =	sst s3;
	s31 =	sshll.u32 s0, $0x6;
	s5 =	smul.u32 $0x2710, s7  }
0x8: {  	s8 =	smul.u32 $0x13C000, s7;
	_ =	strace $0x80000050;
	s7 =	ssub.s32 $0x2, s7  }
0x9: {  	s30 =	sshrl.u32 s7, $0x1;
	s5 =	sadd.s32 s5, s4;
	s4 =	sadd.s32 $0xF400, s6  }
0xa: {  	s8 =	sadd.s32 s10, s8;
	s10 =	sshrl.u32 s29, $0x2;
	s13 =	ssub.s32 s7, s30  }
0xb: {  	s11 =	sshrl.u32 s5, $0x3;
	s5 =	sadd.s32 $0xCC00, s6;
	s8 =	sshrl.u32 s8, $0x3  }
0xc: {  	s14 =	sadd.s32 s10, s2;
	s12 =	sadd.s32 s11, s6;
	s8 =	sadd.s32 s8, s6  }
0xd: {  	s6 =	sor.u32 $0x1C02, s31;
	s9 =	sadd.s32 s11, s9;
	s11 =	sshrl.u32 s14, $0x3  }
0xe: {  	s14 =	simm.s32 $0x50;
	s7 =	sadd.s32 $0x36600, s8;
	s8 =	smax.u32 s13, $0x1  }
0xf: {  	s10 =	sadd.s32 $0x2E00, s12;
	s12 =	simm.s32 $0x2;
	s13 =	simm.s32 $0x80  }
.LBB2_1:
0x10: {  	[spmem:s11], [sflag:s6] =	dma.local [hbm:s5], $0x2780  }
0x11: {  	_ =	swait.ge [sflag:s12], $0x2780  }
0x12: {  	[sflag:s12] =	ssyncset.done $0x0  }
0x13: {  	[sflag:s12] =	ssyncadd.s32 $0xFFFFD880  }
0x14: {  	s18 =	sadd.s32 $0x0, s10;
	[bflag:$0x0] =	sbarrier.arrive $0xFFFF  }
0x15: {  	[tilespmem:s3], [sflag:$0x2] =	stream.linear.gather [hbm4b:s18+s3], $0x50, $0x38;
	[tilespmem:$0x16500] =	vst v63  }
0x16: {  	_ =	swait.ge [sflag:s12], $0x50  }
0x17: {  	[sflag:s12] =	ssyncset.done $0x0  }
0x18: {  	s31 =	sadd.s32 $0x0, s9;
	[sflag:s12] =	ssyncadd.s32 $0xFFFFFFB0  }
0x19: {  	[tilespmem:s13], [sflag:$0x2] =	stream.linear.gather [hbm4b:s31+s3], $0x50, $0x38;
	[tilespmem:$0x16500] =	vst v63  }
0x1a: {  	_ =	swait.ge [sflag:s12], $0x50  }
0x1b: {  	[sflag:s12] =	ssyncset.done $0x0  }
0x1c: {  	[sflag:s12] =	ssyncadd.s32 $0xFFFFFFB0  }
0x1d: {  	[tilespmem:s15], [sflag:$0x1] =	stream.indirect.gather [hbm4b:s4+s14], $0x80, s3, s14, $0xb8;
	[tilespmem:$0x16500] =	vst v63  }
0x1e: {  	_ =	swait.ge [sflag:s16], $0x2800  }
0x1f: {  	[sflag:s16] =	ssyncset.done $0x0  }
0x20: {  	[sflag:s16] =	ssyncadd.s32 $0xFFFFD800  }
0x21: {  	[spmem:s2] =	stream.indirect.scatter.add.f32 [tilespmem:s15], [sflag:$0x2], $0x80, s13, s14, $0xb8;
	[tilespmem:$0x16500] =	vst v63  }
0x22: {  	_ =	swait.ge [sflag:s12], $0x2800  }
0x23: {  	s19 =	simm.s32 $0x14;
	s18 =	simm.s32 $0xA;
	[sflag:s12] =	ssyncset.done $0x0  }
.LBB2_2:
0x24: {  	s20 =	sadd.s32 s18, s10  }
0x25: {  	[sflag:s12] =	ssyncadd.s32 $0xFFFFD800;
	s21 =	smov.u32 s19;
	s22 =	sadd.s32 $0xA, s19  }
0x26: {  	[tilespmem:s3], [sflag:$0x2] =	stream.linear.gather [hbm4b:s20+s3], $0x50, $0x38;
	[tilespmem:$0x16500] =	vst v63  }
0x27: {  	p0 =	sne.s32 s19, $0x4D8;
	_ =	swait.ge [sflag:s12], $0x50  }
0x28: {  	[sflag:s12] =	ssyncset.done $0x0  }
0x29: {  	s19 =	sadd.s32 s18, s9;
	s18 =	smov.u32 s21;
	[sflag:s12] =	ssyncadd.s32 $0xFFFFFFB0  }
0x2a: {  	[tilespmem:s13], [sflag:$0x2] =	stream.linear.gather [hbm4b:s19+s3], $0x50, $0x38;
	[tilespmem:$0x16500] =	vst v63  }
0x2b: {  	_ =	swait.ge [sflag:s12], $0x50  }
0x2c: {  	[sflag:s12] =	ssyncset.done $0x0  }
0x2d: {  	[sflag:s12] =	ssyncadd.s32 $0xFFFFFFB0  }
0x2e: {  	[tilespmem:s15], [sflag:$0x1] =	stream.indirect.gather [hbm4b:s4+s14], $0x80, s3, s14, $0xb8;
	[tilespmem:$0x16500] =	vst v63  }
0x2f: {  	_ =	swait.ge [sflag:s16], $0x2800  }
.Ltmp0:
0x30: {  	[sflag:s16] =	ssyncset.done $0x0;
	(pc) =	sbr.rel @p0 .LBB2_2-.Ltmp0, $4  }
0x31: {  	[sflag:s16] =	ssyncadd.s32 $0xFFFFD800  }
0x32: {  	[spmem:s2] =	stream.indirect.scatter.add.f32 [tilespmem:s15], [sflag:$0x2], $0x80, s13, s14, $0xb8;
	[tilespmem:$0x16500] =	vst v63  }
0x33: {  	_ =	swait.ge [sflag:s12], $0x2800  }
0x34: {  	s19 =	smov.u32 s22;
	[sflag:s12] =	ssyncset.done $0x0  }
0x35: {  	s19 =	sadd.s32 s18, s10;
	[sflag:s12] =	ssyncadd.s32 $0xFFFFD800  }
0x36: {  	[tilespmem:s3], [sflag:$0x2] =	stream.linear.gather [hbm4b:s19+s3], $0x50, $0x38;
	[tilespmem:$0x16500] =	vst v63  }
0x37: {  	_ =	swait.ge [sflag:s12], $0x50  }
0x38: {  	[sflag:s12] =	ssyncset.done $0x0  }
0x39: {  	s31 =	sadd.s32 s18, s9;
	[sflag:s12] =	ssyncadd.s32 $0xFFFFFFB0  }
0x3a: {  	[tilespmem:s13], [sflag:$0x2] =	stream.linear.gather [hbm4b:s31+s3], $0x50, $0x38;
	[tilespmem:$0x16500] =	vst v63  }
0x3b: {  	_ =	swait.ge [sflag:s12], $0x50  }
0x3c: {  	[sflag:s12] =	ssyncset.done $0x0  }
0x3d: {  	[sflag:s12] =	ssyncadd.s32 $0xFFFFFFB0  }
0x3e: {  	[tilespmem:s15], [sflag:$0x1] =	stream.indirect.gather [hbm4b:s4+s14], $0x80, s3, s14, $0xb8;
	[tilespmem:$0x16500] =	vst v63  }
0x3f: {  	_ =	swait.ge [sflag:s16], $0x2800  }
0x40: {  	[sflag:s16] =	ssyncset.done $0x0  }
0x41: {  	[sflag:s16] =	ssyncadd.s32 $0xFFFFD800  }
0x42: {  	[spmem:s2] =	stream.indirect.scatter.add.f32 [tilespmem:s15], [sflag:$0x2], $0x80, s13, s14, $0xb8;
	[tilespmem:$0x16500] =	vst v63  }
0x43: {  	_ =	swait.ge [sflag:s12], $0x2800  }
0x44: {  	s17 =	sadd.s32 $0x1, s17;
	[sflag:s12] =	ssyncset.done $0x0  }
0x45: {  	p0 =	sne.s32 s17, s8;
	[sflag:s12] =	ssyncadd.s32 $0xFFFFD800  }
.Ltmp1:
0x46: {  	[bflag:$0x0] =	sbarrier.arrive $0xFFFF;
	(pc) =	sbr.rel @p0 .LBB2_1-.Ltmp1, $4  }
0x47: {  	[hbm:s7], [sflag:s6] =	dma.local [spmem:s11], $0x2780  }
0x48: {  	_ =	swait.ge [sflag:s12], $0x2780  }
0x49: {  	[sflag:s12] =	ssyncset.done $0x0  }
0x4a: {  	[sflag:s12] =	ssyncadd.s32 $0xFFFFD880  }
0x4b: {  	_ =	sfence.sel $0x180000  }
0x4c: {  	[bflag:$0x0] =	sbarrier.arrive $0xFFFF  }
0x4d: {  	p0 =	sne.s32 s0, $0x0;
	_ =	strace $0x90000050  }
0x4e: {  	s0 =	sadd.s32 @!p0 $0x100000, s1;
	[bflag:$0x2] =	sbarrier.arrive $0xFFFF  }
0x4f: {  	[sflag:s0] =	ssyncadd.tile.s32 @!p0 $0x1;
	_ =	shalt  }
.Lfunc_end2:
_tile_overlayer_lowered:
.L_overlay_start_2:
0x50: {  	(tag) =	ssettag $0x2  }
0x51: {  	s0 =	rddreg [dreg:$0x0];
	s2 =	stileid.u32  }
0x52: {  	s1 =	rddreg [dreg:$0x1];
	p0 =	sne.s32 s2, $0x0  }
0x53: {  	s3 =	rddreg [dreg:$0x2];
	[bflag:$0x3] =	sbarrier.arrive $0xFFFF;
	s2 =	simm.s32 @!p0 $0x1C02  }
0x54: {  	[timem:s3], [sflag:s2] =	dma.local @!p0 [hbm:s0], s1  }
0x55: {  	s0 =	simm.s32 @!p0 $0x2  }
0x56: {  	_ =	swait.ge @!p0 [sflag:s0], s1  }
0x57: {  	s1 =	ssub.s32 @!p0 $0x0, s1;
	[sflag:s0] =	ssyncset.done @!p0 $0x0  }
0x58: {  	[sflag:s0] =	ssyncadd.s32 @!p0 s1  }
0x59: {  	[bflag:$0x3] =	sbarrier.arrive $0xFFFF  }
0x5a: {  	_ =	shalt  }

</sc_bundles>
